<compile_context>
chip_gen: v7x
topology: tpu7x:2x2x1
jax: 0.10.2.dev20260603
libtpu: 0.0.44.dev20260713+nightly
codegen_flags: <defaults>
</compile_context>

<pallas_src>
import functools

import jax
import jax.numpy as jnp
from jax import lax
from jax.experimental import pallas as pl
from jax.experimental.pallas import tpu as pltpu
from jax.experimental.pallas import tpu_sc as plsc

H, W, C = 50, 50, 512
PH, PW = 7, 7
NPIX = PH * PW
NWORK = 16
SLOTS = 4
LANES = 16
CCHUNKS = C // LANES


@functools.partial(
    pl.kernel,
    out_type=jax.ShapeDtypeStruct((1, PH, PW, C), jnp.float32),
    mesh=plsc.VectorSubcoreMesh(core_axis_name="c", subcore_axis_name="s",
                                num_cores=1),
    scratch_types=[
        pltpu.VMEM((LANES,), jnp.float32),
        pltpu.VMEM((LANES,), jnp.int32),
        pltpu.VMEM((LANES,), jnp.int32),
        pltpu.VMEM((LANES, C), jnp.float32),
        pltpu.VMEM((SLOTS, C), jnp.float32),
        pltpu.SemaphoreType.DMA,
    ],
)
def _roi_pool_sc(img_hbm, rois_hbm, out_hbm, roi_v, iy_v, ix_v, rows_v,
                 res_v, sem):
    wid = lax.axis_index("s")
    lanes = lax.iota(jnp.int32, LANES)

    pltpu.sync_copy(rois_hbm.at[pl.ds(0, LANES)], roi_v)
    rvi = roi_v[...].astype(jnp.int32)
    x0c = rvi[0]
    y0c = rvi[1]
    in_w = rvi[2] - x0c + 1
    in_h = rvi[3] - y0c + 1
    d_w = jnp.full((LANES,), in_w.astype(jnp.float32)) / jnp.float32(PW)
    d_h = jnp.full((LANES,), in_h.astype(jnp.float32)) / jnp.float32(PH)

    s_l = lax.div(lanes, 4)
    q_l = lax.rem(lanes, 4)
    p_l = jnp.minimum(SLOTS * wid + s_l, NPIX - 1)
    i_l = lax.div(p_l, PW)
    j_l = lax.rem(p_l, PW)
    sy = i_l.astype(jnp.float32) * d_h
    sx = j_l.astype(jnp.float32) * d_w
    fy0 = sy.astype(jnp.int32)
    fx0 = sx.astype(jnp.int32)
    wy = sy - fy0.astype(jnp.float32)
    wx = sx - fx0.astype(jnp.float32)
    fy1 = jnp.minimum(fy0 + 1, in_h - 1)
    fx1 = jnp.minimum(fx0 + 1, in_w - 1)
    iy_v[...] = y0c + jnp.where(q_l < 2, fy0, fy1)
    ix_v[...] = x0c + jnp.where(lax.rem(q_l, 2) == 0, fx0, fx1)

    wgt = jnp.where(q_l < 2, 1.0 - wy, wy) * jnp.where(
        lax.rem(q_l, 2) == 0, 1.0 - wx, wx)

    iy = iy_v[...]
    ix = ix_v[...]
    for k in range(LANES):
        pltpu.async_copy(img_hbm.at[0, iy[k], ix[k]], rows_v.at[k], sem)
    for k in range(LANES):
        pltpu.make_async_copy(img_hbm.at[0, iy[k], ix[k]], rows_v.at[k],
                              sem).wait()

    w_sq = [[wgt[4 * s + q] for q in range(4)] for s in range(SLOTS)]

    def blend_chunk(cc, carry):
        sl = pl.ds(cc * LANES, LANES)
        for s in range(SLOTS):
            res_v[s, sl] = (w_sq[s][0] * rows_v[4 * s + 0, sl]
                            + w_sq[s][1] * rows_v[4 * s + 1, sl]
                            + w_sq[s][2] * rows_v[4 * s + 2, sl]
                            + w_sq[s][3] * rows_v[4 * s + 3, sl])
        return carry

    lax.fori_loop(0, CCHUNKS, blend_chunk, 0)

    for s in range(SLOTS):
        @pl.when(SLOTS * wid + s < NPIX)
        def _(s=s):
            p = SLOTS * wid + s
            pltpu.async_copy(res_v.at[s],
                             out_hbm.at[0, lax.div(p, PW), lax.rem(p, PW)],
                             sem)

    for s in range(SLOTS):
        @pl.when(SLOTS * wid + s < NPIX)
        def _(s=s):
            p = SLOTS * wid + s
            pltpu.make_async_copy(res_v.at[s],
                                  out_hbm.at[0, lax.div(p, PW),
                                             lax.rem(p, PW)],
                                  sem).wait()


def kernel(img, rois):
    rois16 = lax.slice(rois, (0, 0), (4, 4)).reshape(LANES)
    return _roi_pool_sc(img, rois16)

# --- scband reference (transcript-rebuilt; emitter-appended) ---
"""Pipeline reference for scband-roi-pooling-conv-87806311400258 (READ-ONLY COPY).

The authoritative reference and input builder live on the scoring server;
editing this copy changes nothing except your own understanding.
"""

import jax, jax.numpy as jnp
import numpy as np

POOL = (7, 7)
SCALE = 1.0
H, W, C = 50, 50, 512
NUM_ROIS = 1000


def setup_inputs(seed: int = 0):
    key = jax.random.key(seed)
    k1, k2, k3 = jax.random.split(key, 3)
    img = jax.random.normal(k1, (1, H, W, C), dtype=jnp.float32)
    # valid boxes: x1<=x2<=W-1, y1<=y2<=H-1 (crop_to_bounding_box constraints)
    xs = jnp.sort(jax.random.uniform(k2, (NUM_ROIS, 2), minval=0.0, maxval=float(W - 1)), axis=1)
    ys = jnp.sort(jax.random.uniform(k3, (NUM_ROIS, 2), minval=0.0, maxval=float(H - 1)), axis=1)
    rois = jnp.stack([xs[:, 0], ys[:, 0], xs[:, 1], ys[:, 1]], axis=1).astype(jnp.float32)
    return {"img": img, "rois": rois}


def _resize_bilinear_tf1(g, out_h, out_w):
    # g: [h, w, C]. TF1 tf.image.resize_images default (bilinear, align_corners=False):
    # src coordinate = dst_index * (in_size / out_size), no half-pixel offset.
    in_h, in_w = g.shape[0], g.shape[1]
    sy = jnp.arange(out_h, dtype=jnp.float32) * (in_h / out_h)
    sx = jnp.arange(out_w, dtype=jnp.float32) * (in_w / out_w)
    y0 = jnp.floor(sy).astype(jnp.int32)
    x0 = jnp.floor(sx).astype(jnp.int32)
    y1 = jnp.minimum(y0 + 1, in_h - 1)
    x1 = jnp.minimum(x0 + 1, in_w - 1)
    wy = (sy - y0.astype(jnp.float32))[:, None, None]
    wx = (sx - x0.astype(jnp.float32))[None, :, None]
    a = g[y0][:, x0]
    b = g[y0][:, x1]
    c = g[y1][:, x0]
    d = g[y1][:, x1]
    return a * (1.0 - wy) * (1.0 - wx) + b * (1.0 - wy) * wx + c * wy * (1.0 - wx) + d * wy * wx


def _resize_bilinear_tf1_roi(img0, x, y, in_h, in_w, out_h, out_w):
    # Same TF1 bilinear math as _resize_bilinear_tf1, but reads the crop of
    # traced size (in_h, in_w) at traced offset (y, x) via fixed-shape gathers
    # into the full image img0: [H, W, C].
    in_h_f = in_h.astype(jnp.float32)
    in_w_f = in_w.astype(jnp.float32)
    sy = jnp.arange(out_h, dtype=jnp.float32) * (in_h_f / jnp.float32(out_h))
    sx = jnp.arange(out_w, dtype=jnp.float32) * (in_w_f / jnp.float32(out_w))
    y0 = jnp.floor(sy).astype(jnp.int32)
    x0 = jnp.floor(sx).astype(jnp.int32)
    y1 = jnp.minimum(y0 + 1, in_h - 1)
    x1 = jnp.minimum(x0 + 1, in_w - 1)
    wy = (sy - y0.astype(jnp.float32))[:, None, None]
    wx = (sx - x0.astype(jnp.float32))[None, :, None]
    gy0 = (y + y0)[:, None]
    gy1 = (y + y1)[:, None]
    gx0 = (x + x0)[None, :]
    gx1 = (x + x1)[None, :]
    a = img0[gy0, gx0]
    b = img0[gy0, gx1]
    c = img0[gy1, gx0]
    d = img0[gy1, gx1]
    return a * (1.0 - wy) * (1.0 - wx) + b * (1.0 - wy) * wx + c * wy * (1.0 - wx) + d * wy * wx


def reference(img, rois):
    # rois_norm = cast(rois * scale_factor, int32) then back to float (coords are integral)
    coords = (rois * SCALE).astype(jnp.int32)

    def _pool_one(c4):
        x = c4[0]
        y = c4[1]
        w = c4[2] - x
        h = c4[3] - y
        # tf.image.crop_to_bounding_box(img, y, x, h+1, w+1); img keeps batch dim 1
        return _resize_bilinear_tf1_roi(img[0], x, y, h + 1, w + 1, POOL[0], POOL[1])

    pooled = jax.vmap(_pool_one)(coords)  # [R, ph, pw, C]
    out5 = pooled[:, None, :, :, :]       # [R, 1, ph, pw, C] like tf.map_fn
    final = out5[0, :, :, :, :]           # faithful to original: only ROI 0 survives
    return final.astype(jnp.float32)

if __name__ == "__main__":
    import jax
    _d = setup_inputs()
    print(jax.jit(kernel)(*tuple(_d.values())))

</pallas_src>

<mosaic_0001>
#map = affine_map<(d0, d1) -> (0, 0, 0, 0)>
#map1 = affine_map<(d0, d1) -> (0)>
module attributes {stable_mosaic.version = 14 : i64} {
  func.func @_roi_pool_sc(%arg0: i32, %arg1: i32, %arg2: memref<1x50x50x512xf32, #tpu.memory_space<hbm>>, %arg3: memref<16xf32, #tpu.memory_space<hbm>>, %arg4: memref<1x7x7x512xf32, #tpu.memory_space<hbm>>, %arg5: memref<16xf32, #tpu.memory_space<vmem>>, %arg6: memref<16xi32, #tpu.memory_space<vmem>>, %arg7: memref<16xi32, #tpu.memory_space<vmem>>, %arg8: memref<16x512xf32, #tpu.memory_space<vmem>>, %arg9: memref<4x512xf32, #tpu.memory_space<vmem>>, %arg10: memref<!tpu.dma_semaphore, #tpu.memory_space<semaphore_mem>>) attributes {dimension_semantics = [#tpu.dimension_semantics<core_parallel>, #tpu.dimension_semantics<subcore_parallel>], iteration_bounds = array<i64: 1, 16>, scalar_prefetch = 0 : i64, scratch_operands = 6 : i64, tpu.core_type = #tpu.core_type<sc_vector_subcore>, window_params = [{transform_indices = #map}, {transform_indices = #map1}, {transform_indices = #map}]} {
    %iota3A = tpu.iota {dimensions = array<i32: 0>} : vector<16xi32>
    "tpu.region"() ({
      %run_scoped3A = tpu.sem_alloc : memref<!tpu.dma_semaphore, #tpu.memory_space<semaphore_mem>>
      %dma_start3A_785 = arith.constant 0 : i32
      %dma_start3A_786 = tpu.memref_slice %arg3[%dma_start3A_785] : memref<16xf32, #tpu.memory_space<hbm>> -> memref<16xf32, #tpu.memory_space<hbm>>
      %dma_start3A_787 = arith.constant 0 : i32
      %dma_start3A_788 = tpu.memref_slice %arg3[%dma_start3A_787] : memref<16xf32, #tpu.memory_space<hbm>> -> memref<16xf32, #tpu.memory_space<hbm>>
      tpu.enqueue_dma source(%dma_start3A_788 : memref<16xf32, #tpu.memory_space<hbm>>) target(%arg5 : memref<16xf32, #tpu.memory_space<vmem>>) target_semaphore(%run_scoped3A : memref<!tpu.dma_semaphore, #tpu.memory_space<semaphore_mem>>)
      %dma_wait3A_789 = arith.constant 0 : i32
      %dma_wait3A_790 = tpu.memref_slice %arg3[%dma_wait3A_789] : memref<16xf32, #tpu.memory_space<hbm>> -> memref<16xf32, #tpu.memory_space<hbm>>
      %dma_wait3A_791 = arith.constant 0 : i32
      %dma_wait3A_792 = tpu.memref_slice %arg3[%dma_wait3A_791] : memref<16xf32, #tpu.memory_space<hbm>> -> memref<16xf32, #tpu.memory_space<hbm>>
      tpu.wait_dma2 semaphore(%run_scoped3A : memref<!tpu.dma_semaphore, #tpu.memory_space<semaphore_mem>>) src(%dma_wait3A_792 : memref<16xf32, #tpu.memory_space<hbm>>) dst(%arg5 : memref<16xf32, #tpu.memory_space<vmem>>)
      tpu.yield
    }) : () -> ()
    %get3A = arith.constant 0 : index
    %get3A_0 = tpu.vector_load %arg5[%get3A] {strides = array<i32>} : memref<16xf32, #tpu.memory_space<vmem>>, vector<16xf32>,
    %get3A_1 = vector.shape_cast %get3A_0 : vector<16xf32> to vector<16xf32>
    %convert_element_type3A = arith.fptosi %get3A_1 : vector<16xf32> to vector<16xi32>
    %slice3A = vector.extract_strided_slice %convert_element_type3A {offsets = [0], sizes = [1], strides = [1]} : vector<16xi32> to vector<1xi32>
    %squeeze3A = vector.extract %slice3A[0] : i32 from vector<1xi32>
    %slice3A_2 = vector.extract_strided_slice %convert_element_type3A {offsets = [1], sizes = [1], strides = [1]} : vector<16xi32> to vector<1xi32>
    %squeeze3A_3 = vector.extract %slice3A_2[0] : i32 from vector<1xi32>
    %slice3A_4 = vector.extract_strided_slice %convert_element_type3A {offsets = [2], sizes = [1], strides = [1]} : vector<16xi32> to vector<1xi32>
    %squeeze3A_5 = vector.extract %slice3A_4[0] : i32 from vector<1xi32>
    %sub3A = arith.subi %squeeze3A_5, %squeeze3A : i32
    %add3A = arith.constant 1 : i32
    %add3A_6 = arith.addi %sub3A, %add3A : i32
    %slice3A_7 = vector.extract_strided_slice %convert_element_type3A {offsets = [3], sizes = [1], strides = [1]} : vector<16xi32> to vector<1xi32>
    %squeeze3A_8 = vector.extract %slice3A_7[0] : i32 from vector<1xi32>
    %sub3A_9 = arith.subi %squeeze3A_8, %squeeze3A_3 : i32
    %add3A_10 = arith.constant 1 : i32
    %add3A_11 = arith.addi %sub3A_9, %add3A_10 : i32
    %convert_element_type3A_12 = arith.sitofp %add3A_6 : i32 to f32
    %broadcast_in_dim3A = vector.broadcast %convert_element_type3A_12 : f32 to vector<16xf32>
    %div3A = arith.constant 7.000000e+00 : f32
    %div3A_13 = vector.broadcast %div3A : f32 to vector<16xf32>
    %div3A_14 = arith.divf %broadcast_in_dim3A, %div3A_13 : vector<16xf32>
    %convert_element_type3A_15 = arith.sitofp %add3A_11 : i32 to f32
    %broadcast_in_dim3A_16 = vector.broadcast %convert_element_type3A_15 : f32 to vector<16xf32>
    %div3A_17 = arith.constant 7.000000e+00 : f32
    %div3A_18 = vector.broadcast %div3A_17 : f32 to vector<16xf32>
    %div3A_19 = arith.divf %broadcast_in_dim3A_16, %div3A_18 : vector<16xf32>
    %div3A_20 = arith.constant 4 : i32
    %div3A_21 = vector.broadcast %div3A_20 : i32 to vector<16xi32>
    %div3A_22 = arith.divsi %iota3A, %div3A_21 : vector<16xi32>
    %rem3A = arith.constant 4 : i32
    %rem3A_23 = vector.broadcast %rem3A : i32 to vector<16xi32>
    %rem3A_24 = arith.remsi %iota3A, %rem3A_23 : vector<16xi32>
    %mul3A = arith.constant 4 : i32
    %mul3A_25 = arith.muli %mul3A, %arg1 : i32
    %add3A_26 = vector.broadcast %mul3A_25 : i32 to vector<16xi32>
    %add3A_27 = arith.addi %add3A_26, %div3A_22 : vector<16xi32>
    %min3A = arith.constant 48 : i32
    %min3A_28 = vector.broadcast %min3A : i32 to vector<16xi32>
    %min3A_29 = arith.minsi %add3A_27, %min3A_28 : vector<16xi32>
    %div3A_30 = arith.constant 7 : i32
    %div3A_31 = vector.broadcast %div3A_30 : i32 to vector<16xi32>
    %div3A_32 = arith.divsi %min3A_29, %div3A_31 : vector<16xi32>
    %rem3A_33 = arith.constant 7 : i32
    %rem3A_34 = vector.broadcast %rem3A_33 : i32 to vector<16xi32>
    %rem3A_35 = arith.remsi %min3A_29, %rem3A_34 : vector<16xi32>
    %convert_element_type3A_36 = arith.sitofp %div3A_32 : vector<16xi32> to vector<16xf32>
    %mul3A_37 = arith.mulf %convert_element_type3A_36, %div3A_19 : vector<16xf32>
    %convert_element_type3A_38 = arith.sitofp %rem3A_35 : vector<16xi32> to vector<16xf32>
    %mul3A_39 = arith.mulf %convert_element_type3A_38, %div3A_14 : vector<16xf32>
    %convert_element_type3A_40 = arith.fptosi %mul3A_37 : vector<16xf32> to vector<16xi32>
    %convert_element_type3A_41 = arith.fptosi %mul3A_39 : vector<16xf32> to vector<16xi32>
    %convert_element_type3A_42 = arith.sitofp %convert_element_type3A_40 : vector<16xi32> to vector<16xf32>
    %sub3A_43 = arith.subf %mul3A_37, %convert_element_type3A_42 : vector<16xf32>
    %convert_element_type3A_44 = arith.sitofp %convert_element_type3A_41 : vector<16xi32> to vector<16xf32>
    %sub3A_45 = arith.subf %mul3A_39, %convert_element_type3A_44 : vector<16xf32>
    %add3A_46 = arith.constant 1 : i32
    %add3A_47 = vector.broadcast %add3A_46 : i32 to vector<16xi32>
    %add3A_48 = arith.addi %convert_element_type3A_40, %add3A_47 : vector<16xi32>
    %sub3A_49 = arith.constant 1 : i32
    %sub3A_50 = arith.subi %add3A_11, %sub3A_49 : i32
    %min3A_51 = vector.broadcast %sub3A_50 : i32 to vector<16xi32>
    %min3A_52 = arith.minsi %add3A_48, %min3A_51 : vector<16xi32>
    %add3A_53 = arith.constant 1 : i32
    %add3A_54 = vector.broadcast %add3A_53 : i32 to vector<16xi32>
    %add3A_55 = arith.addi %convert_element_type3A_41, %add3A_54 : vector<16xi32>
    %sub3A_56 = arith.constant 1 : i32
    %sub3A_57 = arith.subi %add3A_6, %sub3A_56 : i32
    %min3A_58 = vector.broadcast %sub3A_57 : i32 to vector<16xi32>
    %min3A_59 = arith.minsi %add3A_55, %min3A_58 : vector<16xi32>
    %lt3A = arith.constant 2 : i32
    %lt3A_60 = vector.broadcast %lt3A : i32 to vector<16xi32>
    %lt3A_61 = arith.cmpi slt, %rem3A_24, %lt3A_60 : vector<16xi32>
    %select_n3A = arith.select %lt3A_61, %convert_element_type3A_40, %min3A_52 : vector<16xi1>, vector<16xi32>
    %add3A_62 = vector.broadcast %squeeze3A_3 : i32 to vector<16xi32>
    %add3A_63 = arith.addi %add3A_62, %select_n3A : vector<16xi32>
    %swap3A = arith.constant 0 : index
    %swap3A_64 = tpu.vector_load %arg6[%swap3A] {strides = array<i32>} : memref<16xi32, #tpu.memory_space<vmem>>, vector<16xi32>,
    %swap3A_65 = vector.shape_cast %swap3A_64 : vector<16xi32> to vector<16xi32>
    %swap3A_66 = vector.shape_cast %add3A_63 : vector<16xi32> to vector<16xi32>
    tpu.vector_store %arg6[%swap3A], %swap3A_66 {strides = array<i32>} : memref<16xi32, #tpu.memory_space<vmem>>, vector<16xi32>,
    %rem3A_67 = arith.constant 2 : i32
    %rem3A_68 = vector.broadcast %rem3A_67 : i32 to vector<16xi32>
    %rem3A_69 = arith.remsi %rem3A_24, %rem3A_68 : vector<16xi32>
    %eq3A = arith.constant 0 : i32
    %eq3A_70 = vector.broadcast %eq3A : i32 to vector<16xi32>
    %eq3A_71 = arith.cmpi eq, %rem3A_69, %eq3A_70 : vector<16xi32>
    %select_n3A_72 = arith.select %eq3A_71, %convert_element_type3A_41, %min3A_59 : vector<16xi1>, vector<16xi32>
    %add3A_73 = vector.broadcast %squeeze3A : i32 to vector<16xi32>
    %add3A_74 = arith.addi %add3A_73, %select_n3A_72 : vector<16xi32>
    %swap3A_75 = arith.constant 0 : index
    %swap3A_76 = tpu.vector_load %arg7[%swap3A_75] {strides = array<i32>} : memref<16xi32, #tpu.memory_space<vmem>>, vector<16xi32>,
    %swap3A_77 = vector.shape_cast %swap3A_76 : vector<16xi32> to vector<16xi32>
    %swap3A_78 = vector.shape_cast %add3A_74 : vector<16xi32> to vector<16xi32>
    tpu.vector_store %arg7[%swap3A_75], %swap3A_78 {strides = array<i32>} : memref<16xi32, #tpu.memory_space<vmem>>, vector<16xi32>,
    %lt3A_79 = arith.constant 2 : i32
    %lt3A_80 = vector.broadcast %lt3A_79 : i32 to vector<16xi32>
    %lt3A_81 = arith.cmpi slt, %rem3A_24, %lt3A_80 : vector<16xi32>
    %sub3A_82 = arith.constant 1.000000e+00 : f32
    %sub3A_83 = vector.broadcast %sub3A_82 : f32 to vector<16xf32>
    %sub3A_84 = arith.subf %sub3A_83, %sub3A_43 : vector<16xf32>
    %select_n3A_85 = arith.select %lt3A_81, %sub3A_84, %sub3A_43 : vector<16xi1>, vector<16xf32>
    %rem3A_86 = arith.constant 2 : i32
    %rem3A_87 = vector.broadcast %rem3A_86 : i32 to vector<16xi32>
    %rem3A_88 = arith.remsi %rem3A_24, %rem3A_87 : vector<16xi32>
    %eq3A_89 = arith.constant 0 : i32
    %eq3A_90 = vector.broadcast %eq3A_89 : i32 to vector<16xi32>
    %eq3A_91 = arith.cmpi eq, %rem3A_88, %eq3A_90 : vector<16xi32>
    %sub3A_92 = arith.constant 1.000000e+00 : f32
    %sub3A_93 = vector.broadcast %sub3A_92 : f32 to vector<16xf32>
    %sub3A_94 = arith.subf %sub3A_93, %sub3A_45 : vector<16xf32>
    %select_n3A_95 = arith.select %eq3A_91, %sub3A_94, %sub3A_45 : vector<16xi1>, vector<16xf32>
    %mul3A_96 = arith.mulf %select_n3A_85, %select_n3A_95 : vector<16xf32>
    %get3A_97 = arith.constant 0 : index
    %get3A_98 = tpu.vector_load %arg6[%get3A_97] {strides = array<i32>} : memref<16xi32, #tpu.memory_space<vmem>>, vector<16xi32>,
    %get3A_99 = vector.shape_cast %get3A_98 : vector<16xi32> to vector<16xi32>
    %get3A_100 = arith.constant 0 : index
    %get3A_101 = tpu.vector_load %arg7[%get3A_100] {strides = array<i32>} : memref<16xi32, #tpu.memory_space<vmem>>, vector<16xi32>,
    %get3A_102 = vector.shape_cast %get3A_101 : vector<16xi32> to vector<16xi32>
    %slice3A_103 = vector.extract_strided_slice %get3A_99 {offsets = [0], sizes = [1], strides = [1]} : vector<16xi32> to vector<1xi32>
    %squeeze3A_104 = vector.extract %slice3A_103[0] : i32 from vector<1xi32>
    %slice3A_105 = vector.extract_strided_slice %get3A_102 {offsets = [0], sizes = [1], strides = [1]} : vector<16xi32> to vector<1xi32>
    %squeeze3A_106 = vector.extract %slice3A_105[0] : i32 from vector<1xi32>
    %dma_start3A = arith.constant 0 : i32
    %dma_start3A_107 = arith.constant 0 : i32
    %dma_start3A_108 = arith.constant 0 : i32
    %dma_start3A_109 = tpu.memref_slice %arg8[%dma_start3A_107, %dma_start3A_108] : memref<16x512xf32, #tpu.memory_space<vmem>> -> memref<1x512xf32, #tpu.memory_space<vmem>>
    %dma_start3A_110 = tpu.memref_squeeze %dma_start3A_109 : memref<1x512xf32, #tpu.memory_space<vmem>> -> memref<512xf32, #tpu.memory_space<vmem>>
    %dma_start3A_111 = arith.constant 0 : i32
    %dma_start3A_112 = tpu.memref_slice %arg2[%dma_start3A, %squeeze3A_104, %squeeze3A_106, %dma_start3A_111] : memref<1x50x50x512xf32, #tpu.memory_space<hbm>> -> memref<1x1x1x512xf32, #tpu.memory_space<hbm>>
    %dma_start3A_113 = tpu.memref_squeeze %dma_start3A_112 : memref<1x1x1x512xf32, #tpu.memory_space<hbm>> -> memref<512xf32, #tpu.memory_space<hbm>>
    %dma_start3A_114 = arith.constant 0 : i32
    %dma_start3A_115 = tpu.memref_slice %arg8[%dma_start3A_107, %dma_start3A_114] : memref<16x512xf32, #tpu.memory_space<vmem>> -> memref<1x512xf32, #tpu.memory_space<vmem>>
    %dma_start3A_116 = tpu.memref_squeeze %dma_start3A_115 : memref<1x512xf32, #tpu.memory_space<vmem>> -> memref<512xf32, #tpu.memory_space<vmem>>
    %dma_start3A_117 = arith.constant 0 : i32
    %dma_start3A_118 = tpu.memref_slice %arg2[%dma_start3A, %squeeze3A_104, %squeeze3A_106, %dma_start3A_117] : memref<1x50x50x512xf32, #tpu.memory_space<hbm>> -> memref<1x1x1x512xf32, #tpu.memory_space<hbm>>
    %dma_start3A_119 = tpu.memref_squeeze %dma_start3A_118 : memref<1x1x1x512xf32, #tpu.memory_space<hbm>> -> memref<512xf32, #tpu.memory_space<hbm>>
    tpu.enqueue_dma source(%dma_start3A_119 : memref<512xf32, #tpu.memory_space<hbm>>) target(%dma_start3A_116 : memref<512xf32, #tpu.memory_space<vmem>>) target_semaphore(%arg10 : memref<!tpu.dma_semaphore, #tpu.memory_space<semaphore_mem>>)
    %slice3A_120 = vector.extract_strided_slice %get3A_99 {offsets = [1], sizes = [1], strides = [1]} : vector<16xi32> to vector<1xi32>
    %squeeze3A_121 = vector.extract %slice3A_120[0] : i32 from vector<1xi32>
    %slice3A_122 = vector.extract_strided_slice %get3A_102 {offsets = [1], sizes = [1], strides = [1]} : vector<16xi32> to vector<1xi32>
    %squeeze3A_123 = vector.extract %slice3A_122[0] : i32 from vector<1xi32>
    %dma_start3A_124 = arith.constant 0 : i32
    %dma_start3A_125 = arith.constant 1 : i32
    %dma_start3A_126 = arith.constant 0 : i32
    %dma_start3A_127 = tpu.memref_slice %arg8[%dma_start3A_125, %dma_start3A_126] : memref<16x512xf32, #tpu.memory_space<vmem>> -> memref<1x512xf32, #tpu.memory_space<vmem>>
    %dma_start3A_128 = tpu.memref_squeeze %dma_start3A_127 : memref<1x512xf32, #tpu.memory_space<vmem>> -> memref<512xf32, #tpu.memory_space<vmem>>
    %dma_start3A_129 = arith.constant 0 : i32
    %dma_start3A_130 = tpu.memref_slice %arg2[%dma_start3A_124, %squeeze3A_121, %squeeze3A_123, %dma_start3A_129] : memref<1x50x50x512xf32, #tpu.memory_space<hbm>> -> memref<1x1x1x512xf32, #tpu.memory_space<hbm>>
    %dma_start3A_131 = tpu.memref_squeeze %dma_start3A_130 : memref<1x1x1x512xf32, #tpu.memory_space<hbm>> -> memref<512xf32, #tpu.memory_space<hbm>>
    %dma_start3A_132 = arith.constant 0 : i32
    %dma_start3A_133 = tpu.memref_slice %arg8[%dma_start3A_125, %dma_start3A_132] : memref<16x512xf32, #tpu.memory_space<vmem>> -> memref<1x512xf32, #tpu.memory_space<vmem>>
    %dma_start3A_134 = tpu.memref_squeeze %dma_start3A_133 : memref<1x512xf32, #tpu.memory_space<vmem>> -> memref<512xf32, #tpu.memory_space<vmem>>
    %dma_start3A_135 = arith.constant 0 : i32
    %dma_start3A_136 = tpu.memref_slice %arg2[%dma_start3A_124, %squeeze3A_121, %squeeze3A_123, %dma_start3A_135] : memref<1x50x50x512xf32, #tpu.memory_space<hbm>> -> memref<1x1x1x512xf32, #tpu.memory_space<hbm>>
    %dma_start3A_137 = tpu.memref_squeeze %dma_start3A_136 : memref<1x1x1x512xf32, #tpu.memory_space<hbm>> -> memref<512xf32, #tpu.memory_space<hbm>>
    tpu.enqueue_dma source(%dma_start3A_137 : memref<512xf32, #tpu.memory_space<hbm>>) target(%dma_start3A_134 : memref<512xf32, #tpu.memory_space<vmem>>) target_semaphore(%arg10 : memref<!tpu.dma_semaphore, #tpu.memory_space<semaphore_mem>>)
    %slice3A_138 = vector.extract_strided_slice %get3A_99 {offsets = [2], sizes = [1], strides = [1]} : vector<16xi32> to vector<1xi32>
    %squeeze3A_139 = vector.extract %slice3A_138[0] : i32 from vector<1xi32>
    %slice3A_140 = vector.extract_strided_slice %get3A_102 {offsets = [2], sizes = [1], strides = [1]} : vector<16xi32> to vector<1xi32>
    %squeeze3A_141 = vector.extract %slice3A_140[0] : i32 from vector<1xi32>
    %dma_start3A_142 = arith.constant 0 : i32
    %dma_start3A_143 = arith.constant 2 : i32
    %dma_start3A_144 = arith.constant 0 : i32
    %dma_start3A_145 = tpu.memref_slice %arg8[%dma_start3A_143, %dma_start3A_144] : memref<16x512xf32, #tpu.memory_space<vmem>> -> memref<1x512xf32, #tpu.memory_space<vmem>>
    %dma_start3A_146 = tpu.memref_squeeze %dma_start3A_145 : memref<1x512xf32, #tpu.memory_space<vmem>> -> memref<512xf32, #tpu.memory_space<vmem>>
    %dma_start3A_147 = arith.constant 0 : i32
    %dma_start3A_148 = tpu.memref_slice %arg2[%dma_start3A_142, %squeeze3A_139, %squeeze3A_141, %dma_start3A_147] : memref<1x50x50x512xf32, #tpu.memory_space<hbm>> -> memref<1x1x1x512xf32, #tpu.memory_space<hbm>>
    %dma_start3A_149 = tpu.memref_squeeze %dma_start3A_148 : memref<1x1x1x512xf32, #tpu.memory_space<hbm>> -> memref<512xf32, #tpu.memory_space<hbm>>
    %dma_start3A_150 = arith.constant 0 : i32
    %dma_start3A_151 = tpu.memref_slice %arg8[%dma_start3A_143, %dma_start3A_150] : memref<16x512xf32, #tpu.memory_space<vmem>> -> memref<1x512xf32, #tpu.memory_space<vmem>>
    %dma_start3A_152 = tpu.memref_squeeze %dma_start3A_151 : memref<1x512xf32, #tpu.memory_space<vmem>> -> memref<512xf32, #tpu.memory_space<vmem>>
    %dma_start3A_153 = arith.constant 0 : i32
    %dma_start3A_154 = tpu.memref_slice %arg2[%dma_start3A_142, %squeeze3A_139, %squeeze3A_141, %dma_start3A_153] : memref<1x50x50x512xf32, #tpu.memory_space<hbm>> -> memref<1x1x1x512xf32, #tpu.memory_space<hbm>>
    %dma_start3A_155 = tpu.memref_squeeze %dma_start3A_154 : memref<1x1x1x512xf32, #tpu.memory_space<hbm>> -> memref<512xf32, #tpu.memory_space<hbm>>
    tpu.enqueue_dma source(%dma_start3A_155 : memref<512xf32, #tpu.memory_space<hbm>>) target(%dma_start3A_152 : memref<512xf32, #tpu.memory_space<vmem>>) target_semaphore(%arg10 : memref<!tpu.dma_semaphore, #tpu.memory_space<semaphore_mem>>)
    %slice3A_156 = vector.extract_strided_slice %get3A_99 {offsets = [3], sizes = [1], strides = [1]} : vector<16xi32> to vector<1xi32>
    %squeeze3A_157 = vector.extract %slice3A_156[0] : i32 from vector<1xi32>
    %slice3A_158 = vector.extract_strided_slice %get3A_102 {offsets = [3], sizes = [1], strides = [1]} : vector<16xi32> to vector<1xi32>
    %squeeze3A_159 = vector.extract %slice3A_158[0] : i32 from vector<1xi32>
    %dma_start3A_160 = arith.constant 0 : i32
    %dma_start3A_161 = arith.constant 3 : i32
    %dma_start3A_162 = arith.constant 0 : i32
    %dma_start3A_163 = tpu.memref_slice %arg8[%dma_start3A_161, %dma_start3A_162] : memref<16x512xf32, #tpu.memory_space<vmem>> -> memref<1x512xf32, #tpu.memory_space<vmem>>
    %dma_start3A_164 = tpu.memref_squeeze %dma_start3A_163 : memref<1x512xf32, #tpu.memory_space<vmem>> -> memref<512xf32, #tpu.memory_space<vmem>>
    %dma_start3A_165 = arith.constant 0 : i32
    %dma_start3A_166 = tpu.memref_slice %arg2[%dma_start3A_160, %squeeze3A_157, %squeeze3A_159, %dma_start3A_165] : memref<1x50x50x512xf32, #tpu.memory_space<hbm>> -> memref<1x1x1x512xf32, #tpu.memory_space<hbm>>
    %dma_start3A_167 = tpu.memref_squeeze %dma_start3A_166 : memref<1x1x1x512xf32, #tpu.memory_space<hbm>> -> memref<512xf32, #tpu.memory_space<hbm>>
    %dma_start3A_168 = arith.constant 0 : i32
    %dma_start3A_169 = tpu.memref_slice %arg8[%dma_start3A_161, %dma_start3A_168] : memref<16x512xf32, #tpu.memory_space<vmem>> -> memref<1x512xf32, #tpu.memory_space<vmem>>
    %dma_start3A_170 = tpu.memref_squeeze %dma_start3A_169 : memref<1x512xf32, #tpu.memory_space<vmem>> -> memref<512xf32, #tpu.memory_space<vmem>>
    %dma_start3A_171 = arith.constant 0 : i32
    %dma_start3A_172 = tpu.memref_slice %arg2[%dma_start3A_160, %squeeze3A_157, %squeeze3A_159, %dma_start3A_171] : memref<1x50x50x512xf32, #tpu.memory_space<hbm>> -> memref<1x1x1x512xf32, #tpu.memory_space<hbm>>
    %dma_start3A_173 = tpu.memref_squeeze %dma_start3A_172 : memref<1x1x1x512xf32, #tpu.memory_space<hbm>> -> memref<512xf32, #tpu.memory_space<hbm>>
    tpu.enqueue_dma source(%dma_start3A_173 : memref<512xf32, #tpu.memory_space<hbm>>) target(%dma_start3A_170 : memref<512xf32, #tpu.memory_space<vmem>>) target_semaphore(%arg10 : memref<!tpu.dma_semaphore, #tpu.memory_space<semaphore_mem>>)
    %slice3A_174 = vector.extract_strided_slice %get3A_99 {offsets = [4], sizes = [1], strides = [1]} : vector<16xi32> to vector<1xi32>
    %squeeze3A_175 = vector.extract %slice3A_174[0] : i32 from vector<1xi32>
    %slice3A_176 = vector.extract_strided_slice %get3A_102 {offsets = [4], sizes = [1], strides = [1]} : vector<16xi32> to vector<1xi32>
    %squeeze3A_177 = vector.extract %slice3A_176[0] : i32 from vector<1xi32>
    %dma_start3A_178 = arith.constant 0 : i32
    %dma_start3A_179 = arith.constant 4 : i32
    %dma_start3A_180 = arith.constant 0 : i32
    %dma_start3A_181 = tpu.memref_slice %arg8[%dma_start3A_179, %dma_start3A_180] : memref<16x512xf32, #tpu.memory_space<vmem>> -> memref<1x512xf32, #tpu.memory_space<vmem>>
    %dma_start3A_182 = tpu.memref_squeeze %dma_start3A_181 : memref<1x512xf32, #tpu.memory_space<vmem>> -> memref<512xf32, #tpu.memory_space<vmem>>
    %dma_start3A_183 = arith.constant 0 : i32
    %dma_start3A_184 = tpu.memref_slice %arg2[%dma_start3A_178, %squeeze3A_175, %squeeze3A_177, %dma_start3A_183] : memref<1x50x50x512xf32, #tpu.memory_space<hbm>> -> memref<1x1x1x512xf32, #tpu.memory_space<hbm>>
    %dma_start3A_185 = tpu.memref_squeeze %dma_start3A_184 : memref<1x1x1x512xf32, #tpu.memory_space<hbm>> -> memref<512xf32, #tpu.memory_space<hbm>>
    %dma_start3A_186 = arith.constant 0 : i32
    %dma_start3A_187 = tpu.memref_slice %arg8[%dma_start3A_179, %dma_start3A_186] : memref<16x512xf32, #tpu.memory_space<vmem>> -> memref<1x512xf32, #tpu.memory_space<vmem>>
    %dma_start3A_188 = tpu.memref_squeeze %dma_start3A_187 : memref<1x512xf32, #tpu.memory_space<vmem>> -> memref<512xf32, #tpu.memory_space<vmem>>
    %dma_start3A_189 = arith.constant 0 : i32
    %dma_start3A_190 = tpu.memref_slice %arg2[%dma_start3A_178, %squeeze3A_175, %squeeze3A_177, %dma_start3A_189] : memref<1x50x50x512xf32, #tpu.memory_space<hbm>> -> memref<1x1x1x512xf32, #tpu.memory_space<hbm>>
    %dma_start3A_191 = tpu.memref_squeeze %dma_start3A_190 : memref<1x1x1x512xf32, #tpu.memory_space<hbm>> -> memref<512xf32, #tpu.memory_space<hbm>>
    tpu.enqueue_dma source(%dma_start3A_191 : memref<512xf32, #tpu.memory_space<hbm>>) target(%dma_start3A_188 : memref<512xf32, #tpu.memory_space<vmem>>) target_semaphore(%arg10 : memref<!tpu.dma_semaphore, #tpu.memory_space<semaphore_mem>>)
    %slice3A_192 = vector.extract_strided_slice %get3A_99 {offsets = [5], sizes = [1], strides = [1]} : vector<16xi32> to vector<1xi32>
    %squeeze3A_193 = vector.extract %slice3A_192[0] : i32 from vector<1xi32>
    %slice3A_194 = vector.extract_strided_slice %get3A_102 {offsets = [5], sizes = [1], strides = [1]} : vector<16xi32> to vector<1xi32>
    %squeeze3A_195 = vector.extract %slice3A_194[0] : i32 from vector<1xi32>
    %dma_start3A_196 = arith.constant 0 : i32
    %dma_start3A_197 = arith.constant 5 : i32
    %dma_start3A_198 = arith.constant 0 : i32
    %dma_start3A_199 = tpu.memref_slice %arg8[%dma_start3A_197, %dma_start3A_198] : memref<16x512xf32, #tpu.memory_space<vmem>> -> memref<1x512xf32, #tpu.memory_space<vmem>>
    %dma_start3A_200 = tpu.memref_squeeze %dma_start3A_199 : memref<1x512xf32, #tpu.memory_space<vmem>> -> memref<512xf32, #tpu.memory_space<vmem>>
    %dma_start3A_201 = arith.constant 0 : i32
    %dma_start3A_202 = tpu.memref_slice %arg2[%dma_start3A_196, %squeeze3A_193, %squeeze3A_195, %dma_start3A_201] : memref<1x50x50x512xf32, #tpu.memory_space<hbm>> -> memref<1x1x1x512xf32, #tpu.memory_space<hbm>>
    %dma_start3A_203 = tpu.memref_squeeze %dma_start3A_202 : memref<1x1x1x512xf32, #tpu.memory_space<hbm>> -> memref<512xf32, #tpu.memory_space<hbm>>
    %dma_start3A_204 = arith.constant 0 : i32
    %dma_start3A_205 = tpu.memref_slice %arg8[%dma_start3A_197, %dma_start3A_204] : memref<16x512xf32, #tpu.memory_space<vmem>> -> memref<1x512xf32, #tpu.memory_space<vmem>>
    %dma_start3A_206 = tpu.memref_squeeze %dma_start3A_205 : memref<1x512xf32, #tpu.memory_space<vmem>> -> memref<512xf32, #tpu.memory_space<vmem>>
    %dma_start3A_207 = arith.constant 0 : i32
    %dma_start3A_208 = tpu.memref_slice %arg2[%dma_start3A_196, %squeeze3A_193, %squeeze3A_195, %dma_start3A_207] : memref<1x50x50x512xf32, #tpu.memory_space<hbm>> -> memref<1x1x1x512xf32, #tpu.memory_space<hbm>>
    %dma_start3A_209 = tpu.memref_squeeze %dma_start3A_208 : memref<1x1x1x512xf32, #tpu.memory_space<hbm>> -> memref<512xf32, #tpu.memory_space<hbm>>
    tpu.enqueue_dma source(%dma_start3A_209 : memref<512xf32, #tpu.memory_space<hbm>>) target(%dma_start3A_206 : memref<512xf32, #tpu.memory_space<vmem>>) target_semaphore(%arg10 : memref<!tpu.dma_semaphore, #tpu.memory_space<semaphore_mem>>)
    %slice3A_210 = vector.extract_strided_slice %get3A_99 {offsets = [6], sizes = [1], strides = [1]} : vector<16xi32> to vector<1xi32>
    %squeeze3A_211 = vector.extract %slice3A_210[0] : i32 from vector<1xi32>
    %slice3A_212 = vector.extract_strided_slice %get3A_102 {offsets = [6], sizes = [1], strides = [1]} : vector<16xi32> to vector<1xi32>
    %squeeze3A_213 = vector.extract %slice3A_212[0] : i32 from vector<1xi32>
    %dma_start3A_214 = arith.constant 0 : i32
    %dma_start3A_215 = arith.constant 6 : i32
    %dma_start3A_216 = arith.constant 0 : i32
    %dma_start3A_217 = tpu.memref_slice %arg8[%dma_start3A_215, %dma_start3A_216] : memref<16x512xf32, #tpu.memory_space<vmem>> -> memref<1x512xf32, #tpu.memory_space<vmem>>
    %dma_start3A_218 = tpu.memref_squeeze %dma_start3A_217 : memref<1x512xf32, #tpu.memory_space<vmem>> -> memref<512xf32, #tpu.memory_space<vmem>>
    %dma_start3A_219 = arith.constant 0 : i32
    %dma_start3A_220 = tpu.memref_slice %arg2[%dma_start3A_214, %squeeze3A_211, %squeeze3A_213, %dma_start3A_219] : memref<1x50x50x512xf32, #tpu.memory_space<hbm>> -> memref<1x1x1x512xf32, #tpu.memory_space<hbm>>
    %dma_start3A_221 = tpu.memref_squeeze %dma_start3A_220 : memref<1x1x1x512xf32, #tpu.memory_space<hbm>> -> memref<512xf32, #tpu.memory_space<hbm>>
    %dma_start3A_222 = arith.constant 0 : i32
    %dma_start3A_223 = tpu.memref_slice %arg8[%dma_start3A_215, %dma_start3A_222] : memref<16x512xf32, #tpu.memory_space<vmem>> -> memref<1x512xf32, #tpu.memory_space<vmem>>
    %dma_start3A_224 = tpu.memref_squeeze %dma_start3A_223 : memref<1x512xf32, #tpu.memory_space<vmem>> -> memref<512xf32, #tpu.memory_space<vmem>>
    %dma_start3A_225 = arith.constant 0 : i32
    %dma_start3A_226 = tpu.memref_slice %arg2[%dma_start3A_214, %squeeze3A_211, %squeeze3A_213, %dma_start3A_225] : memref<1x50x50x512xf32, #tpu.memory_space<hbm>> -> memref<1x1x1x512xf32, #tpu.memory_space<hbm>>
    %dma_start3A_227 = tpu.memref_squeeze %dma_start3A_226 : memref<1x1x1x512xf32, #tpu.memory_space<hbm>> -> memref<512xf32, #tpu.memory_space<hbm>>
    tpu.enqueue_dma source(%dma_start3A_227 : memref<512xf32, #tpu.memory_space<hbm>>) target(%dma_start3A_224 : memref<512xf32, #tpu.memory_space<vmem>>) target_semaphore(%arg10 : memref<!tpu.dma_semaphore, #tpu.memory_space<semaphore_mem>>)
    %slice3A_228 = vector.extract_strided_slice %get3A_99 {offsets = [7], sizes = [1], strides = [1]} : vector<16xi32> to vector<1xi32>
    %squeeze3A_229 = vector.extract %slice3A_228[0] : i32 from vector<1xi32>
    %slice3A_230 = vector.extract_strided_slice %get3A_102 {offsets = [7], sizes = [1], strides = [1]} : vector<16xi32> to vector<1xi32>
    %squeeze3A_231 = vector.extract %slice3A_230[0] : i32 from vector<1xi32>
    %dma_start3A_232 = arith.constant 0 : i32
    %dma_start3A_233 = arith.constant 7 : i32
    %dma_start3A_234 = arith.constant 0 : i32
    %dma_start3A_235 = tpu.memref_slice %arg8[%dma_start3A_233, %dma_start3A_234] : memref<16x512xf32, #tpu.memory_space<vmem>> -> memref<1x512xf32, #tpu.memory_space<vmem>>
    %dma_start3A_236 = tpu.memref_squeeze %dma_start3A_235 : memref<1x512xf32, #tpu.memory_space<vmem>> -> memref<512xf32, #tpu.memory_space<vmem>>
    %dma_start3A_237 = arith.constant 0 : i32
    %dma_start3A_238 = tpu.memref_slice %arg2[%dma_start3A_232, %squeeze3A_229, %squeeze3A_231, %dma_start3A_237] : memref<1x50x50x512xf32, #tpu.memory_space<hbm>> -> memref<1x1x1x512xf32, #tpu.memory_space<hbm>>
    %dma_start3A_239 = tpu.memref_squeeze %dma_start3A_238 : memref<1x1x1x512xf32, #tpu.memory_space<hbm>> -> memref<512xf32, #tpu.memory_space<hbm>>
    %dma_start3A_240 = arith.constant 0 : i32
    %dma_start3A_241 = tpu.memref_slice %arg8[%dma_start3A_233, %dma_start3A_240] : memref<16x512xf32, #tpu.memory_space<vmem>> -> memref<1x512xf32, #tpu.memory_space<vmem>>
    %dma_start3A_242 = tpu.memref_squeeze %dma_start3A_241 : memref<1x512xf32, #tpu.memory_space<vmem>> -> memref<512xf32, #tpu.memory_space<vmem>>
    %dma_start3A_243 = arith.constant 0 : i32
    %dma_start3A_244 = tpu.memref_slice %arg2[%dma_start3A_232, %squeeze3A_229, %squeeze3A_231, %dma_start3A_243] : memref<1x50x50x512xf32, #tpu.memory_space<hbm>> -> memref<1x1x1x512xf32, #tpu.memory_space<hbm>>
    %dma_start3A_245 = tpu.memref_squeeze %dma_start3A_244 : memref<1x1x1x512xf32, #tpu.memory_space<hbm>> -> memref<512xf32, #tpu.memory_space<hbm>>
    tpu.enqueue_dma source(%dma_start3A_245 : memref<512xf32, #tpu.memory_space<hbm>>) target(%dma_start3A_242 : memref<512xf32, #tpu.memory_space<vmem>>) target_semaphore(%arg10 : memref<!tpu.dma_semaphore, #tpu.memory_space<semaphore_mem>>)
    %slice3A_246 = vector.extract_strided_slice %get3A_99 {offsets = [8], sizes = [1], strides = [1]} : vector<16xi32> to vector<1xi32>
    %squeeze3A_247 = vector.extract %slice3A_246[0] : i32 from vector<1xi32>
    %slice3A_248 = vector.extract_strided_slice %get3A_102 {offsets = [8], sizes = [1], strides = [1]} : vector<16xi32> to vector<1xi32>
    %squeeze3A_249 = vector.extract %slice3A_248[0] : i32 from vector<1xi32>
    %dma_start3A_250 = arith.constant 0 : i32
    %dma_start3A_251 = arith.constant 8 : i32
    %dma_start3A_252 = arith.constant 0 : i32
    %dma_start3A_253 = tpu.memref_slice %arg8[%dma_start3A_251, %dma_start3A_252] : memref<16x512xf32, #tpu.memory_space<vmem>> -> memref<1x512xf32, #tpu.memory_space<vmem>>
    %dma_start3A_254 = tpu.memref_squeeze %dma_start3A_253 : memref<1x512xf32, #tpu.memory_space<vmem>> -> memref<512xf32, #tpu.memory_space<vmem>>
    %dma_start3A_255 = arith.constant 0 : i32
    %dma_start3A_256 = tpu.memref_slice %arg2[%dma_start3A_250, %squeeze3A_247, %squeeze3A_249, %dma_start3A_255] : memref<1x50x50x512xf32, #tpu.memory_space<hbm>> -> memref<1x1x1x512xf32, #tpu.memory_space<hbm>>
    %dma_start3A_257 = tpu.memref_squeeze %dma_start3A_256 : memref<1x1x1x512xf32, #tpu.memory_space<hbm>> -> memref<512xf32, #tpu.memory_space<hbm>>
    %dma_start3A_258 = arith.constant 0 : i32
    %dma_start3A_259 = tpu.memref_slice %arg8[%dma_start3A_251, %dma_start3A_258] : memref<16x512xf32, #tpu.memory_space<vmem>> -> memref<1x512xf32, #tpu.memory_space<vmem>>
    %dma_start3A_260 = tpu.memref_squeeze %dma_start3A_259 : memref<1x512xf32, #tpu.memory_space<vmem>> -> memref<512xf32, #tpu.memory_space<vmem>>
    %dma_start3A_261 = arith.constant 0 : i32
    %dma_start3A_262 = tpu.memref_slice %arg2[%dma_start3A_250, %squeeze3A_247, %squeeze3A_249, %dma_start3A_261] : memref<1x50x50x512xf32, #tpu.memory_space<hbm>> -> memref<1x1x1x512xf32, #tpu.memory_space<hbm>>
    %dma_start3A_263 = tpu.memref_squeeze %dma_start3A_262 : memref<1x1x1x512xf32, #tpu.memory_space<hbm>> -> memref<512xf32, #tpu.memory_space<hbm>>
    tpu.enqueue_dma source(%dma_start3A_263 : memref<512xf32, #tpu.memory_space<hbm>>) target(%dma_start3A_260 : memref<512xf32, #tpu.memory_space<vmem>>) target_semaphore(%arg10 : memref<!tpu.dma_semaphore, #tpu.memory_space<semaphore_mem>>)
    %slice3A_264 = vector.extract_strided_slice %get3A_99 {offsets = [9], sizes = [1], strides = [1]} : vector<16xi32> to vector<1xi32>
    %squeeze3A_265 = vector.extract %slice3A_264[0] : i32 from vector<1xi32>
    %slice3A_266 = vector.extract_strided_slice %get3A_102 {offsets = [9], sizes = [1], strides = [1]} : vector<16xi32> to vector<1xi32>
    %squeeze3A_267 = vector.extract %slice3A_266[0] : i32 from vector<1xi32>
    %dma_start3A_268 = arith.constant 0 : i32
    %dma_start3A_269 = arith.constant 9 : i32
    %dma_start3A_270 = arith.constant 0 : i32
    %dma_start3A_271 = tpu.memref_slice %arg8[%dma_start3A_269, %dma_start3A_270] : memref<16x512xf32, #tpu.memory_space<vmem>> -> memref<1x512xf32, #tpu.memory_space<vmem>>
    %dma_start3A_272 = tpu.memref_squeeze %dma_start3A_271 : memref<1x512xf32, #tpu.memory_space<vmem>> -> memref<512xf32, #tpu.memory_space<vmem>>
    %dma_start3A_273 = arith.constant 0 : i32
    %dma_start3A_274 = tpu.memref_slice %arg2[%dma_start3A_268, %squeeze3A_265, %squeeze3A_267, %dma_start3A_273] : memref<1x50x50x512xf32, #tpu.memory_space<hbm>> -> memref<1x1x1x512xf32, #tpu.memory_space<hbm>>
    %dma_start3A_275 = tpu.memref_squeeze %dma_start3A_274 : memref<1x1x1x512xf32, #tpu.memory_space<hbm>> -> memref<512xf32, #tpu.memory_space<hbm>>
    %dma_start3A_276 = arith.constant 0 : i32
    %dma_start3A_277 = tpu.memref_slice %arg8[%dma_start3A_269, %dma_start3A_276] : memref<16x512xf32, #tpu.memory_space<vmem>> -> memref<1x512xf32, #tpu.memory_space<vmem>>
    %dma_start3A_278 = tpu.memref_squeeze %dma_start3A_277 : memref<1x512xf32, #tpu.memory_space<vmem>> -> memref<512xf32, #tpu.memory_space<vmem>>
    %dma_start3A_279 = arith.constant 0 : i32
    %dma_start3A_280 = tpu.memref_slice %arg2[%dma_start3A_268, %squeeze3A_265, %squeeze3A_267, %dma_start3A_279] : memref<1x50x50x512xf32, #tpu.memory_space<hbm>> -> memref<1x1x1x512xf32, #tpu.memory_space<hbm>>
    %dma_start3A_281 = tpu.memref_squeeze %dma_start3A_280 : memref<1x1x1x512xf32, #tpu.memory_space<hbm>> -> memref<512xf32, #tpu.memory_space<hbm>>
    tpu.enqueue_dma source(%dma_start3A_281 : memref<512xf32, #tpu.memory_space<hbm>>) target(%dma_start3A_278 : memref<512xf32, #tpu.memory_space<vmem>>) target_semaphore(%arg10 : memref<!tpu.dma_semaphore, #tpu.memory_space<semaphore_mem>>)
    %slice3A_282 = vector.extract_strided_slice %get3A_99 {offsets = [10], sizes = [1], strides = [1]} : vector<16xi32> to vector<1xi32>
    %squeeze3A_283 = vector.extract %slice3A_282[0] : i32 from vector<1xi32>
    %slice3A_284 = vector.extract_strided_slice %get3A_102 {offsets = [10], sizes = [1], strides = [1]} : vector<16xi32> to vector<1xi32>
    %squeeze3A_285 = vector.extract %slice3A_284[0] : i32 from vector<1xi32>
    %dma_start3A_286 = arith.constant 0 : i32
    %dma_start3A_287 = arith.constant 10 : i32
    %dma_start3A_288 = arith.constant 0 : i32
    %dma_start3A_289 = tpu.memref_slice %arg8[%dma_start3A_287, %dma_start3A_288] : memref<16x512xf32, #tpu.memory_space<vmem>> -> memref<1x512xf32, #tpu.memory_space<vmem>>
    %dma_start3A_290 = tpu.memref_squeeze %dma_start3A_289 : memref<1x512xf32, #tpu.memory_space<vmem>> -> memref<512xf32, #tpu.memory_space<vmem>>
    %dma_start3A_291 = arith.constant 0 : i32
    %dma_start3A_292 = tpu.memref_slice %arg2[%dma_start3A_286, %squeeze3A_283, %squeeze3A_285, %dma_start3A_291] : memref<1x50x50x512xf32, #tpu.memory_space<hbm>> -> memref<1x1x1x512xf32, #tpu.memory_space<hbm>>
    %dma_start3A_293 = tpu.memref_squeeze %dma_start3A_292 : memref<1x1x1x512xf32, #tpu.memory_space<hbm>> -> memref<512xf32, #tpu.memory_space<hbm>>
    %dma_start3A_294 = arith.constant 0 : i32
    %dma_start3A_295 = tpu.memref_slice %arg8[%dma_start3A_287, %dma_start3A_294] : memref<16x512xf32, #tpu.memory_space<vmem>> -> memref<1x512xf32, #tpu.memory_space<vmem>>
    %dma_start3A_296 = tpu.memref_squeeze %dma_start3A_295 : memref<1x512xf32, #tpu.memory_space<vmem>> -> memref<512xf32, #tpu.memory_space<vmem>>
    %dma_start3A_297 = arith.constant 0 : i32
    %dma_start3A_298 = tpu.memref_slice %arg2[%dma_start3A_286, %squeeze3A_283, %squeeze3A_285, %dma_start3A_297] : memref<1x50x50x512xf32, #tpu.memory_space<hbm>> -> memref<1x1x1x512xf32, #tpu.memory_space<hbm>>
    %dma_start3A_299 = tpu.memref_squeeze %dma_start3A_298 : memref<1x1x1x512xf32, #tpu.memory_space<hbm>> -> memref<512xf32, #tpu.memory_space<hbm>>
    tpu.enqueue_dma source(%dma_start3A_299 : memref<512xf32, #tpu.memory_space<hbm>>) target(%dma_start3A_296 : memref<512xf32, #tpu.memory_space<vmem>>) target_semaphore(%arg10 : memref<!tpu.dma_semaphore, #tpu.memory_space<semaphore_mem>>)
    %slice3A_300 = vector.extract_strided_slice %get3A_99 {offsets = [11], sizes = [1], strides = [1]} : vector<16xi32> to vector<1xi32>
    %squeeze3A_301 = vector.extract %slice3A_300[0] : i32 from vector<1xi32>
    %slice3A_302 = vector.extract_strided_slice %get3A_102 {offsets = [11], sizes = [1], strides = [1]} : vector<16xi32> to vector<1xi32>
    %squeeze3A_303 = vector.extract %slice3A_302[0] : i32 from vector<1xi32>
    %dma_start3A_304 = arith.constant 0 : i32
    %dma_start3A_305 = arith.constant 11 : i32
    %dma_start3A_306 = arith.constant 0 : i32
    %dma_start3A_307 = tpu.memref_slice %arg8[%dma_start3A_305, %dma_start3A_306] : memref<16x512xf32, #tpu.memory_space<vmem>> -> memref<1x512xf32, #tpu.memory_space<vmem>>
    %dma_start3A_308 = tpu.memref_squeeze %dma_start3A_307 : memref<1x512xf32, #tpu.memory_space<vmem>> -> memref<512xf32, #tpu.memory_space<vmem>>
    %dma_start3A_309 = arith.constant 0 : i32
    %dma_start3A_310 = tpu.memref_slice %arg2[%dma_start3A_304, %squeeze3A_301, %squeeze3A_303, %dma_start3A_309] : memref<1x50x50x512xf32, #tpu.memory_space<hbm>> -> memref<1x1x1x512xf32, #tpu.memory_space<hbm>>
    %dma_start3A_311 = tpu.memref_squeeze %dma_start3A_310 : memref<1x1x1x512xf32, #tpu.memory_space<hbm>> -> memref<512xf32, #tpu.memory_space<hbm>>
    %dma_start3A_312 = arith.constant 0 : i32
    %dma_start3A_313 = tpu.memref_slice %arg8[%dma_start3A_305, %dma_start3A_312] : memref<16x512xf32, #tpu.memory_space<vmem>> -> memref<1x512xf32, #tpu.memory_space<vmem>>
    %dma_start3A_314 = tpu.memref_squeeze %dma_start3A_313 : memref<1x512xf32, #tpu.memory_space<vmem>> -> memref<512xf32, #tpu.memory_space<vmem>>
    %dma_start3A_315 = arith.constant 0 : i32
    %dma_start3A_316 = tpu.memref_slice %arg2[%dma_start3A_304, %squeeze3A_301, %squeeze3A_303, %dma_start3A_315] : memref<1x50x50x512xf32, #tpu.memory_space<hbm>> -> memref<1x1x1x512xf32, #tpu.memory_space<hbm>>
    %dma_start3A_317 = tpu.memref_squeeze %dma_start3A_316 : memref<1x1x1x512xf32, #tpu.memory_space<hbm>> -> memref<512xf32, #tpu.memory_space<hbm>>
    tpu.enqueue_dma source(%dma_start3A_317 : memref<512xf32, #tpu.memory_space<hbm>>) target(%dma_start3A_314 : memref<512xf32, #tpu.memory_space<vmem>>) target_semaphore(%arg10 : memref<!tpu.dma_semaphore, #tpu.memory_space<semaphore_mem>>)
    %slice3A_318 = vector.extract_strided_slice %get3A_99 {offsets = [12], sizes = [1], strides = [1]} : vector<16xi32> to vector<1xi32>
    %squeeze3A_319 = vector.extract %slice3A_318[0] : i32 from vector<1xi32>
    %slice3A_320 = vector.extract_strided_slice %get3A_102 {offsets = [12], sizes = [1], strides = [1]} : vector<16xi32> to vector<1xi32>
    %squeeze3A_321 = vector.extract %slice3A_320[0] : i32 from vector<1xi32>
    %dma_start3A_322 = arith.constant 0 : i32
    %dma_start3A_323 = arith.constant 12 : i32
    %dma_start3A_324 = arith.constant 0 : i32
    %dma_start3A_325 = tpu.memref_slice %arg8[%dma_start3A_323, %dma_start3A_324] : memref<16x512xf32, #tpu.memory_space<vmem>> -> memref<1x512xf32, #tpu.memory_space<vmem>>
    %dma_start3A_326 = tpu.memref_squeeze %dma_start3A_325 : memref<1x512xf32, #tpu.memory_space<vmem>> -> memref<512xf32, #tpu.memory_space<vmem>>
    %dma_start3A_327 = arith.constant 0 : i32
    %dma_start3A_328 = tpu.memref_slice %arg2[%dma_start3A_322, %squeeze3A_319, %squeeze3A_321, %dma_start3A_327] : memref<1x50x50x512xf32, #tpu.memory_space<hbm>> -> memref<1x1x1x512xf32, #tpu.memory_space<hbm>>
    %dma_start3A_329 = tpu.memref_squeeze %dma_start3A_328 : memref<1x1x1x512xf32, #tpu.memory_space<hbm>> -> memref<512xf32, #tpu.memory_space<hbm>>
    %dma_start3A_330 = arith.constant 0 : i32
    %dma_start3A_331 = tpu.memref_slice %arg8[%dma_start3A_323, %dma_start3A_330] : memref<16x512xf32, #tpu.memory_space<vmem>> -> memref<1x512xf32, #tpu.memory_space<vmem>>
    %dma_start3A_332 = tpu.memref_squeeze %dma_start3A_331 : memref<1x512xf32, #tpu.memory_space<vmem>> -> memref<512xf32, #tpu.memory_space<vmem>>
    %dma_start3A_333 = arith.constant 0 : i32
    %dma_start3A_334 = tpu.memref_slice %arg2[%dma_start3A_322, %squeeze3A_319, %squeeze3A_321, %dma_start3A_333] : memref<1x50x50x512xf32, #tpu.memory_space<hbm>> -> memref<1x1x1x512xf32, #tpu.memory_space<hbm>>
    %dma_start3A_335 = tpu.memref_squeeze %dma_start3A_334 : memref<1x1x1x512xf32, #tpu.memory_space<hbm>> -> memref<512xf32, #tpu.memory_space<hbm>>
    tpu.enqueue_dma source(%dma_start3A_335 : memref<512xf32, #tpu.memory_space<hbm>>) target(%dma_start3A_332 : memref<512xf32, #tpu.memory_space<vmem>>) target_semaphore(%arg10 : memref<!tpu.dma_semaphore, #tpu.memory_space<semaphore_mem>>)
    %slice3A_336 = vector.extract_strided_slice %get3A_99 {offsets = [13], sizes = [1], strides = [1]} : vector<16xi32> to vector<1xi32>
    %squeeze3A_337 = vector.extract %slice3A_336[0] : i32 from vector<1xi32>
    %slice3A_338 = vector.extract_strided_slice %get3A_102 {offsets = [13], sizes = [1], strides = [1]} : vector<16xi32> to vector<1xi32>
    %squeeze3A_339 = vector.extract %slice3A_338[0] : i32 from vector<1xi32>
    %dma_start3A_340 = arith.constant 0 : i32
    %dma_start3A_341 = arith.constant 13 : i32
    %dma_start3A_342 = arith.constant 0 : i32
    %dma_start3A_343 = tpu.memref_slice %arg8[%dma_start3A_341, %dma_start3A_342] : memref<16x512xf32, #tpu.memory_space<vmem>> -> memref<1x512xf32, #tpu.memory_space<vmem>>
    %dma_start3A_344 = tpu.memref_squeeze %dma_start3A_343 : memref<1x512xf32, #tpu.memory_space<vmem>> -> memref<512xf32, #tpu.memory_space<vmem>>
    %dma_start3A_345 = arith.constant 0 : i32
    %dma_start3A_346 = tpu.memref_slice %arg2[%dma_start3A_340, %squeeze3A_337, %squeeze3A_339, %dma_start3A_345] : memref<1x50x50x512xf32, #tpu.memory_space<hbm>> -> memref<1x1x1x512xf32, #tpu.memory_space<hbm>>
    %dma_start3A_347 = tpu.memref_squeeze %dma_start3A_346 : memref<1x1x1x512xf32, #tpu.memory_space<hbm>> -> memref<512xf32, #tpu.memory_space<hbm>>
    %dma_start3A_348 = arith.constant 0 : i32
    %dma_start3A_349 = tpu.memref_slice %arg8[%dma_start3A_341, %dma_start3A_348] : memref<16x512xf32, #tpu.memory_space<vmem>> -> memref<1x512xf32, #tpu.memory_space<vmem>>
    %dma_start3A_350 = tpu.memref_squeeze %dma_start3A_349 : memref<1x512xf32, #tpu.memory_space<vmem>> -> memref<512xf32, #tpu.memory_space<vmem>>
    %dma_start3A_351 = arith.constant 0 : i32
    %dma_start3A_352 = tpu.memref_slice %arg2[%dma_start3A_340, %squeeze3A_337, %squeeze3A_339, %dma_start3A_351] : memref<1x50x50x512xf32, #tpu.memory_space<hbm>> -> memref<1x1x1x512xf32, #tpu.memory_space<hbm>>
    %dma_start3A_353 = tpu.memref_squeeze %dma_start3A_352 : memref<1x1x1x512xf32, #tpu.memory_space<hbm>> -> memref<512xf32, #tpu.memory_space<hbm>>
    tpu.enqueue_dma source(%dma_start3A_353 : memref<512xf32, #tpu.memory_space<hbm>>) target(%dma_start3A_350 : memref<512xf32, #tpu.memory_space<vmem>>) target_semaphore(%arg10 : memref<!tpu.dma_semaphore, #tpu.memory_space<semaphore_mem>>)
    %slice3A_354 = vector.extract_strided_slice %get3A_99 {offsets = [14], sizes = [1], strides = [1]} : vector<16xi32> to vector<1xi32>
    %squeeze3A_355 = vector.extract %slice3A_354[0] : i32 from vector<1xi32>
    %slice3A_356 = vector.extract_strided_slice %get3A_102 {offsets = [14], sizes = [1], strides = [1]} : vector<16xi32> to vector<1xi32>
    %squeeze3A_357 = vector.extract %slice3A_356[0] : i32 from vector<1xi32>
    %dma_start3A_358 = arith.constant 0 : i32
    %dma_start3A_359 = arith.constant 14 : i32
    %dma_start3A_360 = arith.constant 0 : i32
    %dma_start3A_361 = tpu.memref_slice %arg8[%dma_start3A_359, %dma_start3A_360] : memref<16x512xf32, #tpu.memory_space<vmem>> -> memref<1x512xf32, #tpu.memory_space<vmem>>
    %dma_start3A_362 = tpu.memref_squeeze %dma_start3A_361 : memref<1x512xf32, #tpu.memory_space<vmem>> -> memref<512xf32, #tpu.memory_space<vmem>>
    %dma_start3A_363 = arith.constant 0 : i32
    %dma_start3A_364 = tpu.memref_slice %arg2[%dma_start3A_358, %squeeze3A_355, %squeeze3A_357, %dma_start3A_363] : memref<1x50x50x512xf32, #tpu.memory_space<hbm>> -> memref<1x1x1x512xf32, #tpu.memory_space<hbm>>
    %dma_start3A_365 = tpu.memref_squeeze %dma_start3A_364 : memref<1x1x1x512xf32, #tpu.memory_space<hbm>> -> memref<512xf32, #tpu.memory_space<hbm>>
    %dma_start3A_366 = arith.constant 0 : i32
    %dma_start3A_367 = tpu.memref_slice %arg8[%dma_start3A_359, %dma_start3A_366] : memref<16x512xf32, #tpu.memory_space<vmem>> -> memref<1x512xf32, #tpu.memory_space<vmem>>
    %dma_start3A_368 = tpu.memref_squeeze %dma_start3A_367 : memref<1x512xf32, #tpu.memory_space<vmem>> -> memref<512xf32, #tpu.memory_space<vmem>>
    %dma_start3A_369 = arith.constant 0 : i32
    %dma_start3A_370 = tpu.memref_slice %arg2[%dma_start3A_358, %squeeze3A_355, %squeeze3A_357, %dma_start3A_369] : memref<1x50x50x512xf32, #tpu.memory_space<hbm>> -> memref<1x1x1x512xf32, #tpu.memory_space<hbm>>
    %dma_start3A_371 = tpu.memref_squeeze %dma_start3A_370 : memref<1x1x1x512xf32, #tpu.memory_space<hbm>> -> memref<512xf32, #tpu.memory_space<hbm>>
    tpu.enqueue_dma source(%dma_start3A_371 : memref<512xf32, #tpu.memory_space<hbm>>) target(%dma_start3A_368 : memref<512xf32, #tpu.memory_space<vmem>>) target_semaphore(%arg10 : memref<!tpu.dma_semaphore, #tpu.memory_space<semaphore_mem>>)
    %slice3A_372 = vector.extract_strided_slice %get3A_99 {offsets = [15], sizes = [1], strides = [1]} : vector<16xi32> to vector<1xi32>
    %squeeze3A_373 = vector.extract %slice3A_372[0] : i32 from vector<1xi32>
    %slice3A_374 = vector.extract_strided_slice %get3A_102 {offsets = [15], sizes = [1], strides = [1]} : vector<16xi32> to vector<1xi32>
    %squeeze3A_375 = vector.extract %slice3A_374[0] : i32 from vector<1xi32>
    %dma_start3A_376 = arith.constant 0 : i32
    %dma_start3A_377 = arith.constant 15 : i32
    %dma_start3A_378 = arith.constant 0 : i32
    %dma_start3A_379 = tpu.memref_slice %arg8[%dma_start3A_377, %dma_start3A_378] : memref<16x512xf32, #tpu.memory_space<vmem>> -> memref<1x512xf32, #tpu.memory_space<vmem>>
    %dma_start3A_380 = tpu.memref_squeeze %dma_start3A_379 : memref<1x512xf32, #tpu.memory_space<vmem>> -> memref<512xf32, #tpu.memory_space<vmem>>
    %dma_start3A_381 = arith.constant 0 : i32
    %dma_start3A_382 = tpu.memref_slice %arg2[%dma_start3A_376, %squeeze3A_373, %squeeze3A_375, %dma_start3A_381] : memref<1x50x50x512xf32, #tpu.memory_space<hbm>> -> memref<1x1x1x512xf32, #tpu.memory_space<hbm>>
    %dma_start3A_383 = tpu.memref_squeeze %dma_start3A_382 : memref<1x1x1x512xf32, #tpu.memory_space<hbm>> -> memref<512xf32, #tpu.memory_space<hbm>>
    %dma_start3A_384 = arith.constant 0 : i32
    %dma_start3A_385 = tpu.memref_slice %arg8[%dma_start3A_377, %dma_start3A_384] : memref<16x512xf32, #tpu.memory_space<vmem>> -> memref<1x512xf32, #tpu.memory_space<vmem>>
    %dma_start3A_386 = tpu.memref_squeeze %dma_start3A_385 : memref<1x512xf32, #tpu.memory_space<vmem>> -> memref<512xf32, #tpu.memory_space<vmem>>
    %dma_start3A_387 = arith.constant 0 : i32
    %dma_start3A_388 = tpu.memref_slice %arg2[%dma_start3A_376, %squeeze3A_373, %squeeze3A_375, %dma_start3A_387] : memref<1x50x50x512xf32, #tpu.memory_space<hbm>> -> memref<1x1x1x512xf32, #tpu.memory_space<hbm>>
    %dma_start3A_389 = tpu.memref_squeeze %dma_start3A_388 : memref<1x1x1x512xf32, #tpu.memory_space<hbm>> -> memref<512xf32, #tpu.memory_space<hbm>>
    tpu.enqueue_dma source(%dma_start3A_389 : memref<512xf32, #tpu.memory_space<hbm>>) target(%dma_start3A_386 : memref<512xf32, #tpu.memory_space<vmem>>) target_semaphore(%arg10 : memref<!tpu.dma_semaphore, #tpu.memory_space<semaphore_mem>>)
    %slice3A_390 = vector.extract_strided_slice %get3A_99 {offsets = [0], sizes = [1], strides = [1]} : vector<16xi32> to vector<1xi32>
    %squeeze3A_391 = vector.extract %slice3A_390[0] : i32 from vector<1xi32>
    %slice3A_392 = vector.extract_strided_slice %get3A_102 {offsets = [0], sizes = [1], strides = [1]} : vector<16xi32> to vector<1xi32>
    %squeeze3A_393 = vector.extract %slice3A_392[0] : i32 from vector<1xi32>
    %dma_wait3A = arith.constant 0 : i32
    %dma_wait3A_394 = arith.constant 0 : i32
    %dma_wait3A_395 = arith.constant 0 : i32
    %dma_wait3A_396 = tpu.memref_slice %arg8[%dma_wait3A_394, %dma_wait3A_395] : memref<16x512xf32, #tpu.memory_space<vmem>> -> memref<1x512xf32, #tpu.memory_space<vmem>>
    %dma_wait3A_397 = tpu.memref_squeeze %dma_wait3A_396 : memref<1x512xf32, #tpu.memory_space<vmem>> -> memref<512xf32, #tpu.memory_space<vmem>>
    %dma_wait3A_398 = arith.constant 0 : i32
    %dma_wait3A_399 = tpu.memref_slice %arg2[%dma_wait3A, %squeeze3A_391, %squeeze3A_393, %dma_wait3A_398] : memref<1x50x50x512xf32, #tpu.memory_space<hbm>> -> memref<1x1x1x512xf32, #tpu.memory_space<hbm>>
    %dma_wait3A_400 = tpu.memref_squeeze %dma_wait3A_399 : memref<1x1x1x512xf32, #tpu.memory_space<hbm>> -> memref<512xf32, #tpu.memory_space<hbm>>
    %dma_wait3A_401 = arith.constant 0 : i32
    %dma_wait3A_402 = tpu.memref_slice %arg8[%dma_wait3A_394, %dma_wait3A_401] : memref<16x512xf32, #tpu.memory_space<vmem>> -> memref<1x512xf32, #tpu.memory_space<vmem>>
    %dma_wait3A_403 = tpu.memref_squeeze %dma_wait3A_402 : memref<1x512xf32, #tpu.memory_space<vmem>> -> memref<512xf32, #tpu.memory_space<vmem>>
    %dma_wait3A_404 = arith.constant 0 : i32
    %dma_wait3A_405 = tpu.memref_slice %arg2[%dma_wait3A, %squeeze3A_391, %squeeze3A_393, %dma_wait3A_404] : memref<1x50x50x512xf32, #tpu.memory_space<hbm>> -> memref<1x1x1x512xf32, #tpu.memory_space<hbm>>
    %dma_wait3A_406 = tpu.memref_squeeze %dma_wait3A_405 : memref<1x1x1x512xf32, #tpu.memory_space<hbm>> -> memref<512xf32, #tpu.memory_space<hbm>>
    tpu.wait_dma2 semaphore(%arg10 : memref<!tpu.dma_semaphore, #tpu.memory_space<semaphore_mem>>) src(%dma_wait3A_406 : memref<512xf32, #tpu.memory_space<hbm>>) dst(%dma_wait3A_403 : memref<512xf32, #tpu.memory_space<vmem>>)
    %slice3A_407 = vector.extract_strided_slice %get3A_99 {offsets = [1], sizes = [1], strides = [1]} : vector<16xi32> to vector<1xi32>
    %squeeze3A_408 = vector.extract %slice3A_407[0] : i32 from vector<1xi32>
    %slice3A_409 = vector.extract_strided_slice %get3A_102 {offsets = [1], sizes = [1], strides = [1]} : vector<16xi32> to vector<1xi32>
    %squeeze3A_410 = vector.extract %slice3A_409[0] : i32 from vector<1xi32>
    %dma_wait3A_411 = arith.constant 0 : i32
    %dma_wait3A_412 = arith.constant 1 : i32
    %dma_wait3A_413 = arith.constant 0 : i32
    %dma_wait3A_414 = tpu.memref_slice %arg8[%dma_wait3A_412, %dma_wait3A_413] : memref<16x512xf32, #tpu.memory_space<vmem>> -> memref<1x512xf32, #tpu.memory_space<vmem>>
    %dma_wait3A_415 = tpu.memref_squeeze %dma_wait3A_414 : memref<1x512xf32, #tpu.memory_space<vmem>> -> memref<512xf32, #tpu.memory_space<vmem>>
    %dma_wait3A_416 = arith.constant 0 : i32
    %dma_wait3A_417 = tpu.memref_slice %arg2[%dma_wait3A_411, %squeeze3A_408, %squeeze3A_410, %dma_wait3A_416] : memref<1x50x50x512xf32, #tpu.memory_space<hbm>> -> memref<1x1x1x512xf32, #tpu.memory_space<hbm>>
    %dma_wait3A_418 = tpu.memref_squeeze %dma_wait3A_417 : memref<1x1x1x512xf32, #tpu.memory_space<hbm>> -> memref<512xf32, #tpu.memory_space<hbm>>
    %dma_wait3A_419 = arith.constant 0 : i32
    %dma_wait3A_420 = tpu.memref_slice %arg8[%dma_wait3A_412, %dma_wait3A_419] : memref<16x512xf32, #tpu.memory_space<vmem>> -> memref<1x512xf32, #tpu.memory_space<vmem>>
    %dma_wait3A_421 = tpu.memref_squeeze %dma_wait3A_420 : memref<1x512xf32, #tpu.memory_space<vmem>> -> memref<512xf32, #tpu.memory_space<vmem>>
    %dma_wait3A_422 = arith.constant 0 : i32
    %dma_wait3A_423 = tpu.memref_slice %arg2[%dma_wait3A_411, %squeeze3A_408, %squeeze3A_410, %dma_wait3A_422] : memref<1x50x50x512xf32, #tpu.memory_space<hbm>> -> memref<1x1x1x512xf32, #tpu.memory_space<hbm>>
    %dma_wait3A_424 = tpu.memref_squeeze %dma_wait3A_423 : memref<1x1x1x512xf32, #tpu.memory_space<hbm>> -> memref<512xf32, #tpu.memory_space<hbm>>
    tpu.wait_dma2 semaphore(%arg10 : memref<!tpu.dma_semaphore, #tpu.memory_space<semaphore_mem>>) src(%dma_wait3A_424 : memref<512xf32, #tpu.memory_space<hbm>>) dst(%dma_wait3A_421 : memref<512xf32, #tpu.memory_space<vmem>>)
    %slice3A_425 = vector.extract_strided_slice %get3A_99 {offsets = [2], sizes = [1], strides = [1]} : vector<16xi32> to vector<1xi32>
    %squeeze3A_426 = vector.extract %slice3A_425[0] : i32 from vector<1xi32>
    %slice3A_427 = vector.extract_strided_slice %get3A_102 {offsets = [2], sizes = [1], strides = [1]} : vector<16xi32> to vector<1xi32>
    %squeeze3A_428 = vector.extract %slice3A_427[0] : i32 from vector<1xi32>
    %dma_wait3A_429 = arith.constant 0 : i32
    %dma_wait3A_430 = arith.constant 2 : i32
    %dma_wait3A_431 = arith.constant 0 : i32
    %dma_wait3A_432 = tpu.memref_slice %arg8[%dma_wait3A_430, %dma_wait3A_431] : memref<16x512xf32, #tpu.memory_space<vmem>> -> memref<1x512xf32, #tpu.memory_space<vmem>>
    %dma_wait3A_433 = tpu.memref_squeeze %dma_wait3A_432 : memref<1x512xf32, #tpu.memory_space<vmem>> -> memref<512xf32, #tpu.memory_space<vmem>>
    %dma_wait3A_434 = arith.constant 0 : i32
    %dma_wait3A_435 = tpu.memref_slice %arg2[%dma_wait3A_429, %squeeze3A_426, %squeeze3A_428, %dma_wait3A_434] : memref<1x50x50x512xf32, #tpu.memory_space<hbm>> -> memref<1x1x1x512xf32, #tpu.memory_space<hbm>>
    %dma_wait3A_436 = tpu.memref_squeeze %dma_wait3A_435 : memref<1x1x1x512xf32, #tpu.memory_space<hbm>> -> memref<512xf32, #tpu.memory_space<hbm>>
    %dma_wait3A_437 = arith.constant 0 : i32
    %dma_wait3A_438 = tpu.memref_slice %arg8[%dma_wait3A_430, %dma_wait3A_437] : memref<16x512xf32, #tpu.memory_space<vmem>> -> memref<1x512xf32, #tpu.memory_space<vmem>>
    %dma_wait3A_439 = tpu.memref_squeeze %dma_wait3A_438 : memref<1x512xf32, #tpu.memory_space<vmem>> -> memref<512xf32, #tpu.memory_space<vmem>>
    %dma_wait3A_440 = arith.constant 0 : i32
    %dma_wait3A_441 = tpu.memref_slice %arg2[%dma_wait3A_429, %squeeze3A_426, %squeeze3A_428, %dma_wait3A_440] : memref<1x50x50x512xf32, #tpu.memory_space<hbm>> -> memref<1x1x1x512xf32, #tpu.memory_space<hbm>>
    %dma_wait3A_442 = tpu.memref_squeeze %dma_wait3A_441 : memref<1x1x1x512xf32, #tpu.memory_space<hbm>> -> memref<512xf32, #tpu.memory_space<hbm>>
    tpu.wait_dma2 semaphore(%arg10 : memref<!tpu.dma_semaphore, #tpu.memory_space<semaphore_mem>>) src(%dma_wait3A_442 : memref<512xf32, #tpu.memory_space<hbm>>) dst(%dma_wait3A_439 : memref<512xf32, #tpu.memory_space<vmem>>)
    %slice3A_443 = vector.extract_strided_slice %get3A_99 {offsets = [3], sizes = [1], strides = [1]} : vector<16xi32> to vector<1xi32>
    %squeeze3A_444 = vector.extract %slice3A_443[0] : i32 from vector<1xi32>
    %slice3A_445 = vector.extract_strided_slice %get3A_102 {offsets = [3], sizes = [1], strides = [1]} : vector<16xi32> to vector<1xi32>
    %squeeze3A_446 = vector.extract %slice3A_445[0] : i32 from vector<1xi32>
    %dma_wait3A_447 = arith.constant 0 : i32
    %dma_wait3A_448 = arith.constant 3 : i32
    %dma_wait3A_449 = arith.constant 0 : i32
    %dma_wait3A_450 = tpu.memref_slice %arg8[%dma_wait3A_448, %dma_wait3A_449] : memref<16x512xf32, #tpu.memory_space<vmem>> -> memref<1x512xf32, #tpu.memory_space<vmem>>
    %dma_wait3A_451 = tpu.memref_squeeze %dma_wait3A_450 : memref<1x512xf32, #tpu.memory_space<vmem>> -> memref<512xf32, #tpu.memory_space<vmem>>
    %dma_wait3A_452 = arith.constant 0 : i32
    %dma_wait3A_453 = tpu.memref_slice %arg2[%dma_wait3A_447, %squeeze3A_444, %squeeze3A_446, %dma_wait3A_452] : memref<1x50x50x512xf32, #tpu.memory_space<hbm>> -> memref<1x1x1x512xf32, #tpu.memory_space<hbm>>
    %dma_wait3A_454 = tpu.memref_squeeze %dma_wait3A_453 : memref<1x1x1x512xf32, #tpu.memory_space<hbm>> -> memref<512xf32, #tpu.memory_space<hbm>>
    %dma_wait3A_455 = arith.constant 0 : i32
    %dma_wait3A_456 = tpu.memref_slice %arg8[%dma_wait3A_448, %dma_wait3A_455] : memref<16x512xf32, #tpu.memory_space<vmem>> -> memref<1x512xf32, #tpu.memory_space<vmem>>
    %dma_wait3A_457 = tpu.memref_squeeze %dma_wait3A_456 : memref<1x512xf32, #tpu.memory_space<vmem>> -> memref<512xf32, #tpu.memory_space<vmem>>
    %dma_wait3A_458 = arith.constant 0 : i32
    %dma_wait3A_459 = tpu.memref_slice %arg2[%dma_wait3A_447, %squeeze3A_444, %squeeze3A_446, %dma_wait3A_458] : memref<1x50x50x512xf32, #tpu.memory_space<hbm>> -> memref<1x1x1x512xf32, #tpu.memory_space<hbm>>
    %dma_wait3A_460 = tpu.memref_squeeze %dma_wait3A_459 : memref<1x1x1x512xf32, #tpu.memory_space<hbm>> -> memref<512xf32, #tpu.memory_space<hbm>>
    tpu.wait_dma2 semaphore(%arg10 : memref<!tpu.dma_semaphore, #tpu.memory_space<semaphore_mem>>) src(%dma_wait3A_460 : memref<512xf32, #tpu.memory_space<hbm>>) dst(%dma_wait3A_457 : memref<512xf32, #tpu.memory_space<vmem>>)
    %slice3A_461 = vector.extract_strided_slice %get3A_99 {offsets = [4], sizes = [1], strides = [1]} : vector<16xi32> to vector<1xi32>
    %squeeze3A_462 = vector.extract %slice3A_461[0] : i32 from vector<1xi32>
    %slice3A_463 = vector.extract_strided_slice %get3A_102 {offsets = [4], sizes = [1], strides = [1]} : vector<16xi32> to vector<1xi32>
    %squeeze3A_464 = vector.extract %slice3A_463[0] : i32 from vector<1xi32>
    %dma_wait3A_465 = arith.constant 0 : i32
    %dma_wait3A_466 = arith.constant 4 : i32
    %dma_wait3A_467 = arith.constant 0 : i32
    %dma_wait3A_468 = tpu.memref_slice %arg8[%dma_wait3A_466, %dma_wait3A_467] : memref<16x512xf32, #tpu.memory_space<vmem>> -> memref<1x512xf32, #tpu.memory_space<vmem>>
    %dma_wait3A_469 = tpu.memref_squeeze %dma_wait3A_468 : memref<1x512xf32, #tpu.memory_space<vmem>> -> memref<512xf32, #tpu.memory_space<vmem>>
    %dma_wait3A_470 = arith.constant 0 : i32
    %dma_wait3A_471 = tpu.memref_slice %arg2[%dma_wait3A_465, %squeeze3A_462, %squeeze3A_464, %dma_wait3A_470] : memref<1x50x50x512xf32, #tpu.memory_space<hbm>> -> memref<1x1x1x512xf32, #tpu.memory_space<hbm>>
    %dma_wait3A_472 = tpu.memref_squeeze %dma_wait3A_471 : memref<1x1x1x512xf32, #tpu.memory_space<hbm>> -> memref<512xf32, #tpu.memory_space<hbm>>
    %dma_wait3A_473 = arith.constant 0 : i32
    %dma_wait3A_474 = tpu.memref_slice %arg8[%dma_wait3A_466, %dma_wait3A_473] : memref<16x512xf32, #tpu.memory_space<vmem>> -> memref<1x512xf32, #tpu.memory_space<vmem>>
    %dma_wait3A_475 = tpu.memref_squeeze %dma_wait3A_474 : memref<1x512xf32, #tpu.memory_space<vmem>> -> memref<512xf32, #tpu.memory_space<vmem>>
    %dma_wait3A_476 = arith.constant 0 : i32
    %dma_wait3A_477 = tpu.memref_slice %arg2[%dma_wait3A_465, %squeeze3A_462, %squeeze3A_464, %dma_wait3A_476] : memref<1x50x50x512xf32, #tpu.memory_space<hbm>> -> memref<1x1x1x512xf32, #tpu.memory_space<hbm>>
    %dma_wait3A_478 = tpu.memref_squeeze %dma_wait3A_477 : memref<1x1x1x512xf32, #tpu.memory_space<hbm>> -> memref<512xf32, #tpu.memory_space<hbm>>
    tpu.wait_dma2 semaphore(%arg10 : memref<!tpu.dma_semaphore, #tpu.memory_space<semaphore_mem>>) src(%dma_wait3A_478 : memref<512xf32, #tpu.memory_space<hbm>>) dst(%dma_wait3A_475 : memref<512xf32, #tpu.memory_space<vmem>>)
    %slice3A_479 = vector.extract_strided_slice %get3A_99 {offsets = [5], sizes = [1], strides = [1]} : vector<16xi32> to vector<1xi32>
    %squeeze3A_480 = vector.extract %slice3A_479[0] : i32 from vector<1xi32>
    %slice3A_481 = vector.extract_strided_slice %get3A_102 {offsets = [5], sizes = [1], strides = [1]} : vector<16xi32> to vector<1xi32>
    %squeeze3A_482 = vector.extract %slice3A_481[0] : i32 from vector<1xi32>
    %dma_wait3A_483 = arith.constant 0 : i32
    %dma_wait3A_484 = arith.constant 5 : i32
    %dma_wait3A_485 = arith.constant 0 : i32
    %dma_wait3A_486 = tpu.memref_slice %arg8[%dma_wait3A_484, %dma_wait3A_485] : memref<16x512xf32, #tpu.memory_space<vmem>> -> memref<1x512xf32, #tpu.memory_space<vmem>>
    %dma_wait3A_487 = tpu.memref_squeeze %dma_wait3A_486 : memref<1x512xf32, #tpu.memory_space<vmem>> -> memref<512xf32, #tpu.memory_space<vmem>>
    %dma_wait3A_488 = arith.constant 0 : i32
    %dma_wait3A_489 = tpu.memref_slice %arg2[%dma_wait3A_483, %squeeze3A_480, %squeeze3A_482, %dma_wait3A_488] : memref<1x50x50x512xf32, #tpu.memory_space<hbm>> -> memref<1x1x1x512xf32, #tpu.memory_space<hbm>>
    %dma_wait3A_490 = tpu.memref_squeeze %dma_wait3A_489 : memref<1x1x1x512xf32, #tpu.memory_space<hbm>> -> memref<512xf32, #tpu.memory_space<hbm>>
    %dma_wait3A_491 = arith.constant 0 : i32
    %dma_wait3A_492 = tpu.memref_slice %arg8[%dma_wait3A_484, %dma_wait3A_491] : memref<16x512xf32, #tpu.memory_space<vmem>> -> memref<1x512xf32, #tpu.memory_space<vmem>>
    %dma_wait3A_493 = tpu.memref_squeeze %dma_wait3A_492 : memref<1x512xf32, #tpu.memory_space<vmem>> -> memref<512xf32, #tpu.memory_space<vmem>>
    %dma_wait3A_494 = arith.constant 0 : i32
    %dma_wait3A_495 = tpu.memref_slice %arg2[%dma_wait3A_483, %squeeze3A_480, %squeeze3A_482, %dma_wait3A_494] : memref<1x50x50x512xf32, #tpu.memory_space<hbm>> -> memref<1x1x1x512xf32, #tpu.memory_space<hbm>>
    %dma_wait3A_496 = tpu.memref_squeeze %dma_wait3A_495 : memref<1x1x1x512xf32, #tpu.memory_space<hbm>> -> memref<512xf32, #tpu.memory_space<hbm>>
    tpu.wait_dma2 semaphore(%arg10 : memref<!tpu.dma_semaphore, #tpu.memory_space<semaphore_mem>>) src(%dma_wait3A_496 : memref<512xf32, #tpu.memory_space<hbm>>) dst(%dma_wait3A_493 : memref<512xf32, #tpu.memory_space<vmem>>)
    %slice3A_497 = vector.extract_strided_slice %get3A_99 {offsets = [6], sizes = [1], strides = [1]} : vector<16xi32> to vector<1xi32>
    %squeeze3A_498 = vector.extract %slice3A_497[0] : i32 from vector<1xi32>
    %slice3A_499 = vector.extract_strided_slice %get3A_102 {offsets = [6], sizes = [1], strides = [1]} : vector<16xi32> to vector<1xi32>
    %squeeze3A_500 = vector.extract %slice3A_499[0] : i32 from vector<1xi32>
    %dma_wait3A_501 = arith.constant 0 : i32
    %dma_wait3A_502 = arith.constant 6 : i32
    %dma_wait3A_503 = arith.constant 0 : i32
    %dma_wait3A_504 = tpu.memref_slice %arg8[%dma_wait3A_502, %dma_wait3A_503] : memref<16x512xf32, #tpu.memory_space<vmem>> -> memref<1x512xf32, #tpu.memory_space<vmem>>
    %dma_wait3A_505 = tpu.memref_squeeze %dma_wait3A_504 : memref<1x512xf32, #tpu.memory_space<vmem>> -> memref<512xf32, #tpu.memory_space<vmem>>
    %dma_wait3A_506 = arith.constant 0 : i32
    %dma_wait3A_507 = tpu.memref_slice %arg2[%dma_wait3A_501, %squeeze3A_498, %squeeze3A_500, %dma_wait3A_506] : memref<1x50x50x512xf32, #tpu.memory_space<hbm>> -> memref<1x1x1x512xf32, #tpu.memory_space<hbm>>
    %dma_wait3A_508 = tpu.memref_squeeze %dma_wait3A_507 : memref<1x1x1x512xf32, #tpu.memory_space<hbm>> -> memref<512xf32, #tpu.memory_space<hbm>>
    %dma_wait3A_509 = arith.constant 0 : i32
    %dma_wait3A_510 = tpu.memref_slice %arg8[%dma_wait3A_502, %dma_wait3A_509] : memref<16x512xf32, #tpu.memory_space<vmem>> -> memref<1x512xf32, #tpu.memory_space<vmem>>
    %dma_wait3A_511 = tpu.memref_squeeze %dma_wait3A_510 : memref<1x512xf32, #tpu.memory_space<vmem>> -> memref<512xf32, #tpu.memory_space<vmem>>
    %dma_wait3A_512 = arith.constant 0 : i32
    %dma_wait3A_513 = tpu.memref_slice %arg2[%dma_wait3A_501, %squeeze3A_498, %squeeze3A_500, %dma_wait3A_512] : memref<1x50x50x512xf32, #tpu.memory_space<hbm>> -> memref<1x1x1x512xf32, #tpu.memory_space<hbm>>
    %dma_wait3A_514 = tpu.memref_squeeze %dma_wait3A_513 : memref<1x1x1x512xf32, #tpu.memory_space<hbm>> -> memref<512xf32, #tpu.memory_space<hbm>>
    tpu.wait_dma2 semaphore(%arg10 : memref<!tpu.dma_semaphore, #tpu.memory_space<semaphore_mem>>) src(%dma_wait3A_514 : memref<512xf32, #tpu.memory_space<hbm>>) dst(%dma_wait3A_511 : memref<512xf32, #tpu.memory_space<vmem>>)
    %slice3A_515 = vector.extract_strided_slice %get3A_99 {offsets = [7], sizes = [1], strides = [1]} : vector<16xi32> to vector<1xi32>
    %squeeze3A_516 = vector.extract %slice3A_515[0] : i32 from vector<1xi32>
    %slice3A_517 = vector.extract_strided_slice %get3A_102 {offsets = [7], sizes = [1], strides = [1]} : vector<16xi32> to vector<1xi32>
    %squeeze3A_518 = vector.extract %slice3A_517[0] : i32 from vector<1xi32>
    %dma_wait3A_519 = arith.constant 0 : i32
    %dma_wait3A_520 = arith.constant 7 : i32
    %dma_wait3A_521 = arith.constant 0 : i32
    %dma_wait3A_522 = tpu.memref_slice %arg8[%dma_wait3A_520, %dma_wait3A_521] : memref<16x512xf32, #tpu.memory_space<vmem>> -> memref<1x512xf32, #tpu.memory_space<vmem>>
    %dma_wait3A_523 = tpu.memref_squeeze %dma_wait3A_522 : memref<1x512xf32, #tpu.memory_space<vmem>> -> memref<512xf32, #tpu.memory_space<vmem>>
    %dma_wait3A_524 = arith.constant 0 : i32
    %dma_wait3A_525 = tpu.memref_slice %arg2[%dma_wait3A_519, %squeeze3A_516, %squeeze3A_518, %dma_wait3A_524] : memref<1x50x50x512xf32, #tpu.memory_space<hbm>> -> memref<1x1x1x512xf32, #tpu.memory_space<hbm>>
    %dma_wait3A_526 = tpu.memref_squeeze %dma_wait3A_525 : memref<1x1x1x512xf32, #tpu.memory_space<hbm>> -> memref<512xf32, #tpu.memory_space<hbm>>
    %dma_wait3A_527 = arith.constant 0 : i32
    %dma_wait3A_528 = tpu.memref_slice %arg8[%dma_wait3A_520, %dma_wait3A_527] : memref<16x512xf32, #tpu.memory_space<vmem>> -> memref<1x512xf32, #tpu.memory_space<vmem>>
    %dma_wait3A_529 = tpu.memref_squeeze %dma_wait3A_528 : memref<1x512xf32, #tpu.memory_space<vmem>> -> memref<512xf32, #tpu.memory_space<vmem>>
    %dma_wait3A_530 = arith.constant 0 : i32
    %dma_wait3A_531 = tpu.memref_slice %arg2[%dma_wait3A_519, %squeeze3A_516, %squeeze3A_518, %dma_wait3A_530] : memref<1x50x50x512xf32, #tpu.memory_space<hbm>> -> memref<1x1x1x512xf32, #tpu.memory_space<hbm>>
    %dma_wait3A_532 = tpu.memref_squeeze %dma_wait3A_531 : memref<1x1x1x512xf32, #tpu.memory_space<hbm>> -> memref<512xf32, #tpu.memory_space<hbm>>
    tpu.wait_dma2 semaphore(%arg10 : memref<!tpu.dma_semaphore, #tpu.memory_space<semaphore_mem>>) src(%dma_wait3A_532 : memref<512xf32, #tpu.memory_space<hbm>>) dst(%dma_wait3A_529 : memref<512xf32, #tpu.memory_space<vmem>>)
    %slice3A_533 = vector.extract_strided_slice %get3A_99 {offsets = [8], sizes = [1], strides = [1]} : vector<16xi32> to vector<1xi32>
    %squeeze3A_534 = vector.extract %slice3A_533[0] : i32 from vector<1xi32>
    %slice3A_535 = vector.extract_strided_slice %get3A_102 {offsets = [8], sizes = [1], strides = [1]} : vector<16xi32> to vector<1xi32>
    %squeeze3A_536 = vector.extract %slice3A_535[0] : i32 from vector<1xi32>
    %dma_wait3A_537 = arith.constant 0 : i32
    %dma_wait3A_538 = arith.constant 8 : i32
    %dma_wait3A_539 = arith.constant 0 : i32
    %dma_wait3A_540 = tpu.memref_slice %arg8[%dma_wait3A_538, %dma_wait3A_539] : memref<16x512xf32, #tpu.memory_space<vmem>> -> memref<1x512xf32, #tpu.memory_space<vmem>>
    %dma_wait3A_541 = tpu.memref_squeeze %dma_wait3A_540 : memref<1x512xf32, #tpu.memory_space<vmem>> -> memref<512xf32, #tpu.memory_space<vmem>>
    %dma_wait3A_542 = arith.constant 0 : i32
    %dma_wait3A_543 = tpu.memref_slice %arg2[%dma_wait3A_537, %squeeze3A_534, %squeeze3A_536, %dma_wait3A_542] : memref<1x50x50x512xf32, #tpu.memory_space<hbm>> -> memref<1x1x1x512xf32, #tpu.memory_space<hbm>>
    %dma_wait3A_544 = tpu.memref_squeeze %dma_wait3A_543 : memref<1x1x1x512xf32, #tpu.memory_space<hbm>> -> memref<512xf32, #tpu.memory_space<hbm>>
    %dma_wait3A_545 = arith.constant 0 : i32
    %dma_wait3A_546 = tpu.memref_slice %arg8[%dma_wait3A_538, %dma_wait3A_545] : memref<16x512xf32, #tpu.memory_space<vmem>> -> memref<1x512xf32, #tpu.memory_space<vmem>>
    %dma_wait3A_547 = tpu.memref_squeeze %dma_wait3A_546 : memref<1x512xf32, #tpu.memory_space<vmem>> -> memref<512xf32, #tpu.memory_space<vmem>>
    %dma_wait3A_548 = arith.constant 0 : i32
    %dma_wait3A_549 = tpu.memref_slice %arg2[%dma_wait3A_537, %squeeze3A_534, %squeeze3A_536, %dma_wait3A_548] : memref<1x50x50x512xf32, #tpu.memory_space<hbm>> -> memref<1x1x1x512xf32, #tpu.memory_space<hbm>>
    %dma_wait3A_550 = tpu.memref_squeeze %dma_wait3A_549 : memref<1x1x1x512xf32, #tpu.memory_space<hbm>> -> memref<512xf32, #tpu.memory_space<hbm>>
    tpu.wait_dma2 semaphore(%arg10 : memref<!tpu.dma_semaphore, #tpu.memory_space<semaphore_mem>>) src(%dma_wait3A_550 : memref<512xf32, #tpu.memory_space<hbm>>) dst(%dma_wait3A_547 : memref<512xf32, #tpu.memory_space<vmem>>)
    %slice3A_551 = vector.extract_strided_slice %get3A_99 {offsets = [9], sizes = [1], strides = [1]} : vector<16xi32> to vector<1xi32>
    %squeeze3A_552 = vector.extract %slice3A_551[0] : i32 from vector<1xi32>
    %slice3A_553 = vector.extract_strided_slice %get3A_102 {offsets = [9], sizes = [1], strides = [1]} : vector<16xi32> to vector<1xi32>
    %squeeze3A_554 = vector.extract %slice3A_553[0] : i32 from vector<1xi32>
    %dma_wait3A_555 = arith.constant 0 : i32
    %dma_wait3A_556 = arith.constant 9 : i32
    %dma_wait3A_557 = arith.constant 0 : i32
    %dma_wait3A_558 = tpu.memref_slice %arg8[%dma_wait3A_556, %dma_wait3A_557] : memref<16x512xf32, #tpu.memory_space<vmem>> -> memref<1x512xf32, #tpu.memory_space<vmem>>
    %dma_wait3A_559 = tpu.memref_squeeze %dma_wait3A_558 : memref<1x512xf32, #tpu.memory_space<vmem>> -> memref<512xf32, #tpu.memory_space<vmem>>
    %dma_wait3A_560 = arith.constant 0 : i32
    %dma_wait3A_561 = tpu.memref_slice %arg2[%dma_wait3A_555, %squeeze3A_552, %squeeze3A_554, %dma_wait3A_560] : memref<1x50x50x512xf32, #tpu.memory_space<hbm>> -> memref<1x1x1x512xf32, #tpu.memory_space<hbm>>
    %dma_wait3A_562 = tpu.memref_squeeze %dma_wait3A_561 : memref<1x1x1x512xf32, #tpu.memory_space<hbm>> -> memref<512xf32, #tpu.memory_space<hbm>>
    %dma_wait3A_563 = arith.constant 0 : i32
    %dma_wait3A_564 = tpu.memref_slice %arg8[%dma_wait3A_556, %dma_wait3A_563] : memref<16x512xf32, #tpu.memory_space<vmem>> -> memref<1x512xf32, #tpu.memory_space<vmem>>
    %dma_wait3A_565 = tpu.memref_squeeze %dma_wait3A_564 : memref<1x512xf32, #tpu.memory_space<vmem>> -> memref<512xf32, #tpu.memory_space<vmem>>
    %dma_wait3A_566 = arith.constant 0 : i32
    %dma_wait3A_567 = tpu.memref_slice %arg2[%dma_wait3A_555, %squeeze3A_552, %squeeze3A_554, %dma_wait3A_566] : memref<1x50x50x512xf32, #tpu.memory_space<hbm>> -> memref<1x1x1x512xf32, #tpu.memory_space<hbm>>
    %dma_wait3A_568 = tpu.memref_squeeze %dma_wait3A_567 : memref<1x1x1x512xf32, #tpu.memory_space<hbm>> -> memref<512xf32, #tpu.memory_space<hbm>>
    tpu.wait_dma2 semaphore(%arg10 : memref<!tpu.dma_semaphore, #tpu.memory_space<semaphore_mem>>) src(%dma_wait3A_568 : memref<512xf32, #tpu.memory_space<hbm>>) dst(%dma_wait3A_565 : memref<512xf32, #tpu.memory_space<vmem>>)
    %slice3A_569 = vector.extract_strided_slice %get3A_99 {offsets = [10], sizes = [1], strides = [1]} : vector<16xi32> to vector<1xi32>
    %squeeze3A_570 = vector.extract %slice3A_569[0] : i32 from vector<1xi32>
    %slice3A_571 = vector.extract_strided_slice %get3A_102 {offsets = [10], sizes = [1], strides = [1]} : vector<16xi32> to vector<1xi32>
    %squeeze3A_572 = vector.extract %slice3A_571[0] : i32 from vector<1xi32>
    %dma_wait3A_573 = arith.constant 0 : i32
    %dma_wait3A_574 = arith.constant 10 : i32
    %dma_wait3A_575 = arith.constant 0 : i32
    %dma_wait3A_576 = tpu.memref_slice %arg8[%dma_wait3A_574, %dma_wait3A_575] : memref<16x512xf32, #tpu.memory_space<vmem>> -> memref<1x512xf32, #tpu.memory_space<vmem>>
    %dma_wait3A_577 = tpu.memref_squeeze %dma_wait3A_576 : memref<1x512xf32, #tpu.memory_space<vmem>> -> memref<512xf32, #tpu.memory_space<vmem>>
    %dma_wait3A_578 = arith.constant 0 : i32
    %dma_wait3A_579 = tpu.memref_slice %arg2[%dma_wait3A_573, %squeeze3A_570, %squeeze3A_572, %dma_wait3A_578] : memref<1x50x50x512xf32, #tpu.memory_space<hbm>> -> memref<1x1x1x512xf32, #tpu.memory_space<hbm>>
    %dma_wait3A_580 = tpu.memref_squeeze %dma_wait3A_579 : memref<1x1x1x512xf32, #tpu.memory_space<hbm>> -> memref<512xf32, #tpu.memory_space<hbm>>
    %dma_wait3A_581 = arith.constant 0 : i32
    %dma_wait3A_582 = tpu.memref_slice %arg8[%dma_wait3A_574, %dma_wait3A_581] : memref<16x512xf32, #tpu.memory_space<vmem>> -> memref<1x512xf32, #tpu.memory_space<vmem>>
    %dma_wait3A_583 = tpu.memref_squeeze %dma_wait3A_582 : memref<1x512xf32, #tpu.memory_space<vmem>> -> memref<512xf32, #tpu.memory_space<vmem>>
    %dma_wait3A_584 = arith.constant 0 : i32
    %dma_wait3A_585 = tpu.memref_slice %arg2[%dma_wait3A_573, %squeeze3A_570, %squeeze3A_572, %dma_wait3A_584] : memref<1x50x50x512xf32, #tpu.memory_space<hbm>> -> memref<1x1x1x512xf32, #tpu.memory_space<hbm>>
    %dma_wait3A_586 = tpu.memref_squeeze %dma_wait3A_585 : memref<1x1x1x512xf32, #tpu.memory_space<hbm>> -> memref<512xf32, #tpu.memory_space<hbm>>
    tpu.wait_dma2 semaphore(%arg10 : memref<!tpu.dma_semaphore, #tpu.memory_space<semaphore_mem>>) src(%dma_wait3A_586 : memref<512xf32, #tpu.memory_space<hbm>>) dst(%dma_wait3A_583 : memref<512xf32, #tpu.memory_space<vmem>>)
    %slice3A_587 = vector.extract_strided_slice %get3A_99 {offsets = [11], sizes = [1], strides = [1]} : vector<16xi32> to vector<1xi32>
    %squeeze3A_588 = vector.extract %slice3A_587[0] : i32 from vector<1xi32>
    %slice3A_589 = vector.extract_strided_slice %get3A_102 {offsets = [11], sizes = [1], strides = [1]} : vector<16xi32> to vector<1xi32>
    %squeeze3A_590 = vector.extract %slice3A_589[0] : i32 from vector<1xi32>
    %dma_wait3A_591 = arith.constant 0 : i32
    %dma_wait3A_592 = arith.constant 11 : i32
    %dma_wait3A_593 = arith.constant 0 : i32
    %dma_wait3A_594 = tpu.memref_slice %arg8[%dma_wait3A_592, %dma_wait3A_593] : memref<16x512xf32, #tpu.memory_space<vmem>> -> memref<1x512xf32, #tpu.memory_space<vmem>>
    %dma_wait3A_595 = tpu.memref_squeeze %dma_wait3A_594 : memref<1x512xf32, #tpu.memory_space<vmem>> -> memref<512xf32, #tpu.memory_space<vmem>>
    %dma_wait3A_596 = arith.constant 0 : i32
    %dma_wait3A_597 = tpu.memref_slice %arg2[%dma_wait3A_591, %squeeze3A_588, %squeeze3A_590, %dma_wait3A_596] : memref<1x50x50x512xf32, #tpu.memory_space<hbm>> -> memref<1x1x1x512xf32, #tpu.memory_space<hbm>>
    %dma_wait3A_598 = tpu.memref_squeeze %dma_wait3A_597 : memref<1x1x1x512xf32, #tpu.memory_space<hbm>> -> memref<512xf32, #tpu.memory_space<hbm>>
    %dma_wait3A_599 = arith.constant 0 : i32
    %dma_wait3A_600 = tpu.memref_slice %arg8[%dma_wait3A_592, %dma_wait3A_599] : memref<16x512xf32, #tpu.memory_space<vmem>> -> memref<1x512xf32, #tpu.memory_space<vmem>>
    %dma_wait3A_601 = tpu.memref_squeeze %dma_wait3A_600 : memref<1x512xf32, #tpu.memory_space<vmem>> -> memref<512xf32, #tpu.memory_space<vmem>>
    %dma_wait3A_602 = arith.constant 0 : i32
    %dma_wait3A_603 = tpu.memref_slice %arg2[%dma_wait3A_591, %squeeze3A_588, %squeeze3A_590, %dma_wait3A_602] : memref<1x50x50x512xf32, #tpu.memory_space<hbm>> -> memref<1x1x1x512xf32, #tpu.memory_space<hbm>>
    %dma_wait3A_604 = tpu.memref_squeeze %dma_wait3A_603 : memref<1x1x1x512xf32, #tpu.memory_space<hbm>> -> memref<512xf32, #tpu.memory_space<hbm>>
    tpu.wait_dma2 semaphore(%arg10 : memref<!tpu.dma_semaphore, #tpu.memory_space<semaphore_mem>>) src(%dma_wait3A_604 : memref<512xf32, #tpu.memory_space<hbm>>) dst(%dma_wait3A_601 : memref<512xf32, #tpu.memory_space<vmem>>)
    %slice3A_605 = vector.extract_strided_slice %get3A_99 {offsets = [12], sizes = [1], strides = [1]} : vector<16xi32> to vector<1xi32>
    %squeeze3A_606 = vector.extract %slice3A_605[0] : i32 from vector<1xi32>
    %slice3A_607 = vector.extract_strided_slice %get3A_102 {offsets = [12], sizes = [1], strides = [1]} : vector<16xi32> to vector<1xi32>
    %squeeze3A_608 = vector.extract %slice3A_607[0] : i32 from vector<1xi32>
    %dma_wait3A_609 = arith.constant 0 : i32
    %dma_wait3A_610 = arith.constant 12 : i32
    %dma_wait3A_611 = arith.constant 0 : i32
    %dma_wait3A_612 = tpu.memref_slice %arg8[%dma_wait3A_610, %dma_wait3A_611] : memref<16x512xf32, #tpu.memory_space<vmem>> -> memref<1x512xf32, #tpu.memory_space<vmem>>
    %dma_wait3A_613 = tpu.memref_squeeze %dma_wait3A_612 : memref<1x512xf32, #tpu.memory_space<vmem>> -> memref<512xf32, #tpu.memory_space<vmem>>
    %dma_wait3A_614 = arith.constant 0 : i32
    %dma_wait3A_615 = tpu.memref_slice %arg2[%dma_wait3A_609, %squeeze3A_606, %squeeze3A_608, %dma_wait3A_614] : memref<1x50x50x512xf32, #tpu.memory_space<hbm>> -> memref<1x1x1x512xf32, #tpu.memory_space<hbm>>
    %dma_wait3A_616 = tpu.memref_squeeze %dma_wait3A_615 : memref<1x1x1x512xf32, #tpu.memory_space<hbm>> -> memref<512xf32, #tpu.memory_space<hbm>>
    %dma_wait3A_617 = arith.constant 0 : i32
    %dma_wait3A_618 = tpu.memref_slice %arg8[%dma_wait3A_610, %dma_wait3A_617] : memref<16x512xf32, #tpu.memory_space<vmem>> -> memref<1x512xf32, #tpu.memory_space<vmem>>
    %dma_wait3A_619 = tpu.memref_squeeze %dma_wait3A_618 : memref<1x512xf32, #tpu.memory_space<vmem>> -> memref<512xf32, #tpu.memory_space<vmem>>
    %dma_wait3A_620 = arith.constant 0 : i32
    %dma_wait3A_621 = tpu.memref_slice %arg2[%dma_wait3A_609, %squeeze3A_606, %squeeze3A_608, %dma_wait3A_620] : memref<1x50x50x512xf32, #tpu.memory_space<hbm>> -> memref<1x1x1x512xf32, #tpu.memory_space<hbm>>
    %dma_wait3A_622 = tpu.memref_squeeze %dma_wait3A_621 : memref<1x1x1x512xf32, #tpu.memory_space<hbm>> -> memref<512xf32, #tpu.memory_space<hbm>>
    tpu.wait_dma2 semaphore(%arg10 : memref<!tpu.dma_semaphore, #tpu.memory_space<semaphore_mem>>) src(%dma_wait3A_622 : memref<512xf32, #tpu.memory_space<hbm>>) dst(%dma_wait3A_619 : memref<512xf32, #tpu.memory_space<vmem>>)
    %slice3A_623 = vector.extract_strided_slice %get3A_99 {offsets = [13], sizes = [1], strides = [1]} : vector<16xi32> to vector<1xi32>
    %squeeze3A_624 = vector.extract %slice3A_623[0] : i32 from vector<1xi32>
    %slice3A_625 = vector.extract_strided_slice %get3A_102 {offsets = [13], sizes = [1], strides = [1]} : vector<16xi32> to vector<1xi32>
    %squeeze3A_626 = vector.extract %slice3A_625[0] : i32 from vector<1xi32>
    %dma_wait3A_627 = arith.constant 0 : i32
    %dma_wait3A_628 = arith.constant 13 : i32
    %dma_wait3A_629 = arith.constant 0 : i32
    %dma_wait3A_630 = tpu.memref_slice %arg8[%dma_wait3A_628, %dma_wait3A_629] : memref<16x512xf32, #tpu.memory_space<vmem>> -> memref<1x512xf32, #tpu.memory_space<vmem>>
    %dma_wait3A_631 = tpu.memref_squeeze %dma_wait3A_630 : memref<1x512xf32, #tpu.memory_space<vmem>> -> memref<512xf32, #tpu.memory_space<vmem>>
    %dma_wait3A_632 = arith.constant 0 : i32
    %dma_wait3A_633 = tpu.memref_slice %arg2[%dma_wait3A_627, %squeeze3A_624, %squeeze3A_626, %dma_wait3A_632] : memref<1x50x50x512xf32, #tpu.memory_space<hbm>> -> memref<1x1x1x512xf32, #tpu.memory_space<hbm>>
    %dma_wait3A_634 = tpu.memref_squeeze %dma_wait3A_633 : memref<1x1x1x512xf32, #tpu.memory_space<hbm>> -> memref<512xf32, #tpu.memory_space<hbm>>
    %dma_wait3A_635 = arith.constant 0 : i32
    %dma_wait3A_636 = tpu.memref_slice %arg8[%dma_wait3A_628, %dma_wait3A_635] : memref<16x512xf32, #tpu.memory_space<vmem>> -> memref<1x512xf32, #tpu.memory_space<vmem>>
    %dma_wait3A_637 = tpu.memref_squeeze %dma_wait3A_636 : memref<1x512xf32, #tpu.memory_space<vmem>> -> memref<512xf32, #tpu.memory_space<vmem>>
    %dma_wait3A_638 = arith.constant 0 : i32
    %dma_wait3A_639 = tpu.memref_slice %arg2[%dma_wait3A_627, %squeeze3A_624, %squeeze3A_626, %dma_wait3A_638] : memref<1x50x50x512xf32, #tpu.memory_space<hbm>> -> memref<1x1x1x512xf32, #tpu.memory_space<hbm>>
    %dma_wait3A_640 = tpu.memref_squeeze %dma_wait3A_639 : memref<1x1x1x512xf32, #tpu.memory_space<hbm>> -> memref<512xf32, #tpu.memory_space<hbm>>
    tpu.wait_dma2 semaphore(%arg10 : memref<!tpu.dma_semaphore, #tpu.memory_space<semaphore_mem>>) src(%dma_wait3A_640 : memref<512xf32, #tpu.memory_space<hbm>>) dst(%dma_wait3A_637 : memref<512xf32, #tpu.memory_space<vmem>>)
    %slice3A_641 = vector.extract_strided_slice %get3A_99 {offsets = [14], sizes = [1], strides = [1]} : vector<16xi32> to vector<1xi32>
    %squeeze3A_642 = vector.extract %slice3A_641[0] : i32 from vector<1xi32>
    %slice3A_643 = vector.extract_strided_slice %get3A_102 {offsets = [14], sizes = [1], strides = [1]} : vector<16xi32> to vector<1xi32>
    %squeeze3A_644 = vector.extract %slice3A_643[0] : i32 from vector<1xi32>
    %dma_wait3A_645 = arith.constant 0 : i32
    %dma_wait3A_646 = arith.constant 14 : i32
    %dma_wait3A_647 = arith.constant 0 : i32
    %dma_wait3A_648 = tpu.memref_slice %arg8[%dma_wait3A_646, %dma_wait3A_647] : memref<16x512xf32, #tpu.memory_space<vmem>> -> memref<1x512xf32, #tpu.memory_space<vmem>>
    %dma_wait3A_649 = tpu.memref_squeeze %dma_wait3A_648 : memref<1x512xf32, #tpu.memory_space<vmem>> -> memref<512xf32, #tpu.memory_space<vmem>>
    %dma_wait3A_650 = arith.constant 0 : i32
    %dma_wait3A_651 = tpu.memref_slice %arg2[%dma_wait3A_645, %squeeze3A_642, %squeeze3A_644, %dma_wait3A_650] : memref<1x50x50x512xf32, #tpu.memory_space<hbm>> -> memref<1x1x1x512xf32, #tpu.memory_space<hbm>>
    %dma_wait3A_652 = tpu.memref_squeeze %dma_wait3A_651 : memref<1x1x1x512xf32, #tpu.memory_space<hbm>> -> memref<512xf32, #tpu.memory_space<hbm>>
    %dma_wait3A_653 = arith.constant 0 : i32
    %dma_wait3A_654 = tpu.memref_slice %arg8[%dma_wait3A_646, %dma_wait3A_653] : memref<16x512xf32, #tpu.memory_space<vmem>> -> memref<1x512xf32, #tpu.memory_space<vmem>>
    %dma_wait3A_655 = tpu.memref_squeeze %dma_wait3A_654 : memref<1x512xf32, #tpu.memory_space<vmem>> -> memref<512xf32, #tpu.memory_space<vmem>>
    %dma_wait3A_656 = arith.constant 0 : i32
    %dma_wait3A_657 = tpu.memref_slice %arg2[%dma_wait3A_645, %squeeze3A_642, %squeeze3A_644, %dma_wait3A_656] : memref<1x50x50x512xf32, #tpu.memory_space<hbm>> -> memref<1x1x1x512xf32, #tpu.memory_space<hbm>>
    %dma_wait3A_658 = tpu.memref_squeeze %dma_wait3A_657 : memref<1x1x1x512xf32, #tpu.memory_space<hbm>> -> memref<512xf32, #tpu.memory_space<hbm>>
    tpu.wait_dma2 semaphore(%arg10 : memref<!tpu.dma_semaphore, #tpu.memory_space<semaphore_mem>>) src(%dma_wait3A_658 : memref<512xf32, #tpu.memory_space<hbm>>) dst(%dma_wait3A_655 : memref<512xf32, #tpu.memory_space<vmem>>)
    %slice3A_659 = vector.extract_strided_slice %get3A_99 {offsets = [15], sizes = [1], strides = [1]} : vector<16xi32> to vector<1xi32>
    %squeeze3A_660 = vector.extract %slice3A_659[0] : i32 from vector<1xi32>
    %slice3A_661 = vector.extract_strided_slice %get3A_102 {offsets = [15], sizes = [1], strides = [1]} : vector<16xi32> to vector<1xi32>
    %squeeze3A_662 = vector.extract %slice3A_661[0] : i32 from vector<1xi32>
    %dma_wait3A_663 = arith.constant 0 : i32
    %dma_wait3A_664 = arith.constant 15 : i32
    %dma_wait3A_665 = arith.constant 0 : i32
    %dma_wait3A_666 = tpu.memref_slice %arg8[%dma_wait3A_664, %dma_wait3A_665] : memref<16x512xf32, #tpu.memory_space<vmem>> -> memref<1x512xf32, #tpu.memory_space<vmem>>
    %dma_wait3A_667 = tpu.memref_squeeze %dma_wait3A_666 : memref<1x512xf32, #tpu.memory_space<vmem>> -> memref<512xf32, #tpu.memory_space<vmem>>
    %dma_wait3A_668 = arith.constant 0 : i32
    %dma_wait3A_669 = tpu.memref_slice %arg2[%dma_wait3A_663, %squeeze3A_660, %squeeze3A_662, %dma_wait3A_668] : memref<1x50x50x512xf32, #tpu.memory_space<hbm>> -> memref<1x1x1x512xf32, #tpu.memory_space<hbm>>
    %dma_wait3A_670 = tpu.memref_squeeze %dma_wait3A_669 : memref<1x1x1x512xf32, #tpu.memory_space<hbm>> -> memref<512xf32, #tpu.memory_space<hbm>>
    %dma_wait3A_671 = arith.constant 0 : i32
    %dma_wait3A_672 = tpu.memref_slice %arg8[%dma_wait3A_664, %dma_wait3A_671] : memref<16x512xf32, #tpu.memory_space<vmem>> -> memref<1x512xf32, #tpu.memory_space<vmem>>
    %dma_wait3A_673 = tpu.memref_squeeze %dma_wait3A_672 : memref<1x512xf32, #tpu.memory_space<vmem>> -> memref<512xf32, #tpu.memory_space<vmem>>
    %dma_wait3A_674 = arith.constant 0 : i32
    %dma_wait3A_675 = tpu.memref_slice %arg2[%dma_wait3A_663, %squeeze3A_660, %squeeze3A_662, %dma_wait3A_674] : memref<1x50x50x512xf32, #tpu.memory_space<hbm>> -> memref<1x1x1x512xf32, #tpu.memory_space<hbm>>
    %dma_wait3A_676 = tpu.memref_squeeze %dma_wait3A_675 : memref<1x1x1x512xf32, #tpu.memory_space<hbm>> -> memref<512xf32, #tpu.memory_space<hbm>>
    tpu.wait_dma2 semaphore(%arg10 : memref<!tpu.dma_semaphore, #tpu.memory_space<semaphore_mem>>) src(%dma_wait3A_676 : memref<512xf32, #tpu.memory_space<hbm>>) dst(%dma_wait3A_673 : memref<512xf32, #tpu.memory_space<vmem>>)
    %slice3A_677 = vector.extract_strided_slice %mul3A_96 {offsets = [0], sizes = [1], strides = [1]} : vector<16xf32> to vector<1xf32>
    %squeeze3A_678 = vector.extract %slice3A_677[0] : f32 from vector<1xf32>
    %slice3A_679 = vector.extract_strided_slice %mul3A_96 {offsets = [1], sizes = [1], strides = [1]} : vector<16xf32> to vector<1xf32>
    %squeeze3A_680 = vector.extract %slice3A_679[0] : f32 from vector<1xf32>
    %slice3A_681 = vector.extract_strided_slice %mul3A_96 {offsets = [2], sizes = [1], strides = [1]} : vector<16xf32> to vector<1xf32>
    %squeeze3A_682 = vector.extract %slice3A_681[0] : f32 from vector<1xf32>
    %slice3A_683 = vector.extract_strided_slice %mul3A_96 {offsets = [3], sizes = [1], strides = [1]} : vector<16xf32> to vector<1xf32>
    %squeeze3A_684 = vector.extract %slice3A_683[0] : f32 from vector<1xf32>
    %slice3A_685 = vector.extract_strided_slice %mul3A_96 {offsets = [4], sizes = [1], strides = [1]} : vector<16xf32> to vector<1xf32>
    %squeeze3A_686 = vector.extract %slice3A_685[0] : f32 from vector<1xf32>
    %slice3A_687 = vector.extract_strided_slice %mul3A_96 {offsets = [5], sizes = [1], strides = [1]} : vector<16xf32> to vector<1xf32>
    %squeeze3A_688 = vector.extract %slice3A_687[0] : f32 from vector<1xf32>
    %slice3A_689 = vector.extract_strided_slice %mul3A_96 {offsets = [6], sizes = [1], strides = [1]} : vector<16xf32> to vector<1xf32>
    %squeeze3A_690 = vector.extract %slice3A_689[0] : f32 from vector<1xf32>
    %slice3A_691 = vector.extract_strided_slice %mul3A_96 {offsets = [7], sizes = [1], strides = [1]} : vector<16xf32> to vector<1xf32>
    %squeeze3A_692 = vector.extract %slice3A_691[0] : f32 from vector<1xf32>
    %slice3A_693 = vector.extract_strided_slice %mul3A_96 {offsets = [8], sizes = [1], strides = [1]} : vector<16xf32> to vector<1xf32>
    %squeeze3A_694 = vector.extract %slice3A_693[0] : f32 from vector<1xf32>
    %slice3A_695 = vector.extract_strided_slice %mul3A_96 {offsets = [9], sizes = [1], strides = [1]} : vector<16xf32> to vector<1xf32>
    %squeeze3A_696 = vector.extract %slice3A_695[0] : f32 from vector<1xf32>
    %slice3A_697 = vector.extract_strided_slice %mul3A_96 {offsets = [10], sizes = [1], strides = [1]} : vector<16xf32> to vector<1xf32>
    %squeeze3A_698 = vector.extract %slice3A_697[0] : f32 from vector<1xf32>
    %slice3A_699 = vector.extract_strided_slice %mul3A_96 {offsets = [11], sizes = [1], strides = [1]} : vector<16xf32> to vector<1xf32>
    %squeeze3A_700 = vector.extract %slice3A_699[0] : f32 from vector<1xf32>
    %slice3A_701 = vector.extract_strided_slice %mul3A_96 {offsets = [12], sizes = [1], strides = [1]} : vector<16xf32> to vector<1xf32>
    %squeeze3A_702 = vector.extract %slice3A_701[0] : f32 from vector<1xf32>
    %slice3A_703 = vector.extract_strided_slice %mul3A_96 {offsets = [13], sizes = [1], strides = [1]} : vector<16xf32> to vector<1xf32>
    %squeeze3A_704 = vector.extract %slice3A_703[0] : f32 from vector<1xf32>
    %slice3A_705 = vector.extract_strided_slice %mul3A_96 {offsets = [14], sizes = [1], strides = [1]} : vector<16xf32> to vector<1xf32>
    %squeeze3A_706 = vector.extract %slice3A_705[0] : f32 from vector<1xf32>
    %slice3A_707 = vector.extract_strided_slice %mul3A_96 {offsets = [15], sizes = [1], strides = [1]} : vector<16xf32> to vector<1xf32>
    %squeeze3A_708 = vector.extract %slice3A_707[0] : f32 from vector<1xf32>
    %scan3A = arith.constant 0 : i32
    %scan3A_709 = arith.constant 0 : i32
    %scan3A_710 = arith.constant 32 : i32
    %scan3A_711 = arith.addi %scan3A_709, %scan3A_710 : i32
    %scan3A_712 = arith.constant 1 : i32
    scf.for %scan3A_785 = %scan3A_709 to %scan3A_711 step %scan3A_712  : i32 {
      %mul3A_786 = arith.constant 16 : i32
      %mul3A_787 = arith.muli %scan3A_785, %mul3A_786 : i32
      %get3A_788 = arith.constant 0 : i32
      %get3A_789 = arith.index_cast %get3A_788 : i32 to index
      %get3A_790 = arith.index_cast %mul3A_787 : i32 to index
      %get3A_791 = tpu.vector_load %arg8[%get3A_789, %get3A_790] {strides = array<i32>} : memref<16x512xf32, #tpu.memory_space<vmem>>, vector<1x16xf32>,
      %get3A_792 = vector.shape_cast %get3A_791 : vector<1x16xf32> to vector<16xf32>
      %mul3A_793 = vector.broadcast %squeeze3A_678 : f32 to vector<16xf32>
      %mul3A_794 = arith.mulf %mul3A_793, %get3A_792 : vector<16xf32>
      %get3A_795 = arith.constant 1 : i32
      %get3A_796 = arith.index_cast %get3A_795 : i32 to index
      %get3A_797 = arith.index_cast %mul3A_787 : i32 to index
      %get3A_798 = tpu.vector_load %arg8[%get3A_796, %get3A_797] {strides = array<i32>} : memref<16x512xf32, #tpu.memory_space<vmem>>, vector<1x16xf32>,
      %get3A_799 = vector.shape_cast %get3A_798 : vector<1x16xf32> to vector<16xf32>
      %mul3A_800 = vector.broadcast %squeeze3A_680 : f32 to vector<16xf32>
      %mul3A_801 = arith.mulf %mul3A_800, %get3A_799 : vector<16xf32>
      %add3A_802 = arith.addf %mul3A_794, %mul3A_801 : vector<16xf32>
      %get3A_803 = arith.constant 2 : i32
      %get3A_804 = arith.index_cast %get3A_803 : i32 to index
      %get3A_805 = arith.index_cast %mul3A_787 : i32 to index
      %get3A_806 = tpu.vector_load %arg8[%get3A_804, %get3A_805] {strides = array<i32>} : memref<16x512xf32, #tpu.memory_space<vmem>>, vector<1x16xf32>,
      %get3A_807 = vector.shape_cast %get3A_806 : vector<1x16xf32> to vector<16xf32>
      %mul3A_808 = vector.broadcast %squeeze3A_682 : f32 to vector<16xf32>
      %mul3A_809 = arith.mulf %mul3A_808, %get3A_807 : vector<16xf32>
      %add3A_810 = arith.addf %add3A_802, %mul3A_809 : vector<16xf32>
      %get3A_811 = arith.constant 3 : i32
      %get3A_812 = arith.index_cast %get3A_811 : i32 to index
      %get3A_813 = arith.index_cast %mul3A_787 : i32 to index
      %get3A_814 = tpu.vector_load %arg8[%get3A_812, %get3A_813] {strides = array<i32>} : memref<16x512xf32, #tpu.memory_space<vmem>>, vector<1x16xf32>,
      %get3A_815 = vector.shape_cast %get3A_814 : vector<1x16xf32> to vector<16xf32>
      %mul3A_816 = vector.broadcast %squeeze3A_684 : f32 to vector<16xf32>
      %mul3A_817 = arith.mulf %mul3A_816, %get3A_815 : vector<16xf32>
      %add3A_818 = arith.addf %add3A_810, %mul3A_817 : vector<16xf32>
      %swap3A_819 = arith.constant 0 : i32
      %swap3A_820 = arith.index_cast %swap3A_819 : i32 to index
      %swap3A_821 = arith.index_cast %mul3A_787 : i32 to index
      %swap3A_822 = tpu.vector_load %arg9[%swap3A_820, %swap3A_821] {strides = array<i32>} : memref<4x512xf32, #tpu.memory_space<vmem>>, vector<1x16xf32>,
      %swap3A_823 = vector.shape_cast %swap3A_822 : vector<1x16xf32> to vector<16xf32>
      %swap3A_824 = vector.shape_cast %add3A_818 : vector<16xf32> to vector<1x16xf32>
      tpu.vector_store %arg9[%swap3A_820, %swap3A_821], %swap3A_824 {strides = array<i32>} : memref<4x512xf32, #tpu.memory_space<vmem>>, vector<1x16xf32>,
      %get3A_825 = arith.constant 4 : i32
      %get3A_826 = arith.index_cast %get3A_825 : i32 to index
      %get3A_827 = arith.index_cast %mul3A_787 : i32 to index
      %get3A_828 = tpu.vector_load %arg8[%get3A_826, %get3A_827] {strides = array<i32>} : memref<16x512xf32, #tpu.memory_space<vmem>>, vector<1x16xf32>,
      %get3A_829 = vector.shape_cast %get3A_828 : vector<1x16xf32> to vector<16xf32>
      %mul3A_830 = vector.broadcast %squeeze3A_686 : f32 to vector<16xf32>
      %mul3A_831 = arith.mulf %mul3A_830, %get3A_829 : vector<16xf32>
      %get3A_832 = arith.constant 5 : i32
      %get3A_833 = arith.index_cast %get3A_832 : i32 to index
      %get3A_834 = arith.index_cast %mul3A_787 : i32 to index
      %get3A_835 = tpu.vector_load %arg8[%get3A_833, %get3A_834] {strides = array<i32>} : memref<16x512xf32, #tpu.memory_space<vmem>>, vector<1x16xf32>,
      %get3A_836 = vector.shape_cast %get3A_835 : vector<1x16xf32> to vector<16xf32>
      %mul3A_837 = vector.broadcast %squeeze3A_688 : f32 to vector<16xf32>
      %mul3A_838 = arith.mulf %mul3A_837, %get3A_836 : vector<16xf32>
      %add3A_839 = arith.addf %mul3A_831, %mul3A_838 : vector<16xf32>
      %get3A_840 = arith.constant 6 : i32
      %get3A_841 = arith.index_cast %get3A_840 : i32 to index
      %get3A_842 = arith.index_cast %mul3A_787 : i32 to index
      %get3A_843 = tpu.vector_load %arg8[%get3A_841, %get3A_842] {strides = array<i32>} : memref<16x512xf32, #tpu.memory_space<vmem>>, vector<1x16xf32>,
      %get3A_844 = vector.shape_cast %get3A_843 : vector<1x16xf32> to vector<16xf32>
      %mul3A_845 = vector.broadcast %squeeze3A_690 : f32 to vector<16xf32>
      %mul3A_846 = arith.mulf %mul3A_845, %get3A_844 : vector<16xf32>
      %add3A_847 = arith.addf %add3A_839, %mul3A_846 : vector<16xf32>
      %get3A_848 = arith.constant 7 : i32
      %get3A_849 = arith.index_cast %get3A_848 : i32 to index
      %get3A_850 = arith.index_cast %mul3A_787 : i32 to index
      %get3A_851 = tpu.vector_load %arg8[%get3A_849, %get3A_850] {strides = array<i32>} : memref<16x512xf32, #tpu.memory_space<vmem>>, vector<1x16xf32>,
      %get3A_852 = vector.shape_cast %get3A_851 : vector<1x16xf32> to vector<16xf32>
      %mul3A_853 = vector.broadcast %squeeze3A_692 : f32 to vector<16xf32>
      %mul3A_854 = arith.mulf %mul3A_853, %get3A_852 : vector<16xf32>
      %add3A_855 = arith.addf %add3A_847, %mul3A_854 : vector<16xf32>
      %swap3A_856 = arith.constant 1 : i32
      %swap3A_857 = arith.index_cast %swap3A_856 : i32 to index
      %swap3A_858 = arith.index_cast %mul3A_787 : i32 to index
      %swap3A_859 = tpu.vector_load %arg9[%swap3A_857, %swap3A_858] {strides = array<i32>} : memref<4x512xf32, #tpu.memory_space<vmem>>, vector<1x16xf32>,
      %swap3A_860 = vector.shape_cast %swap3A_859 : vector<1x16xf32> to vector<16xf32>
      %swap3A_861 = vector.shape_cast %add3A_855 : vector<16xf32> to vector<1x16xf32>
      tpu.vector_store %arg9[%swap3A_857, %swap3A_858], %swap3A_861 {strides = array<i32>} : memref<4x512xf32, #tpu.memory_space<vmem>>, vector<1x16xf32>,
      %get3A_862 = arith.constant 8 : i32
      %get3A_863 = arith.index_cast %get3A_862 : i32 to index
      %get3A_864 = arith.index_cast %mul3A_787 : i32 to index
      %get3A_865 = tpu.vector_load %arg8[%get3A_863, %get3A_864] {strides = array<i32>} : memref<16x512xf32, #tpu.memory_space<vmem>>, vector<1x16xf32>,
      %get3A_866 = vector.shape_cast %get3A_865 : vector<1x16xf32> to vector<16xf32>
      %mul3A_867 = vector.broadcast %squeeze3A_694 : f32 to vector<16xf32>
      %mul3A_868 = arith.mulf %mul3A_867, %get3A_866 : vector<16xf32>
      %get3A_869 = arith.constant 9 : i32
      %get3A_870 = arith.index_cast %get3A_869 : i32 to index
      %get3A_871 = arith.index_cast %mul3A_787 : i32 to index
      %get3A_872 = tpu.vector_load %arg8[%get3A_870, %get3A_871] {strides = array<i32>} : memref<16x512xf32, #tpu.memory_space<vmem>>, vector<1x16xf32>,
      %get3A_873 = vector.shape_cast %get3A_872 : vector<1x16xf32> to vector<16xf32>
      %mul3A_874 = vector.broadcast %squeeze3A_696 : f32 to vector<16xf32>
      %mul3A_875 = arith.mulf %mul3A_874, %get3A_873 : vector<16xf32>
      %add3A_876 = arith.addf %mul3A_868, %mul3A_875 : vector<16xf32>
      %get3A_877 = arith.constant 10 : i32
      %get3A_878 = arith.index_cast %get3A_877 : i32 to index
      %get3A_879 = arith.index_cast %mul3A_787 : i32 to index
      %get3A_880 = tpu.vector_load %arg8[%get3A_878, %get3A_879] {strides = array<i32>} : memref<16x512xf32, #tpu.memory_space<vmem>>, vector<1x16xf32>,
      %get3A_881 = vector.shape_cast %get3A_880 : vector<1x16xf32> to vector<16xf32>
      %mul3A_882 = vector.broadcast %squeeze3A_698 : f32 to vector<16xf32>
      %mul3A_883 = arith.mulf %mul3A_882, %get3A_881 : vector<16xf32>
      %add3A_884 = arith.addf %add3A_876, %mul3A_883 : vector<16xf32>
      %get3A_885 = arith.constant 11 : i32
      %get3A_886 = arith.index_cast %get3A_885 : i32 to index
      %get3A_887 = arith.index_cast %mul3A_787 : i32 to index
      %get3A_888 = tpu.vector_load %arg8[%get3A_886, %get3A_887] {strides = array<i32>} : memref<16x512xf32, #tpu.memory_space<vmem>>, vector<1x16xf32>,
      %get3A_889 = vector.shape_cast %get3A_888 : vector<1x16xf32> to vector<16xf32>
      %mul3A_890 = vector.broadcast %squeeze3A_700 : f32 to vector<16xf32>
      %mul3A_891 = arith.mulf %mul3A_890, %get3A_889 : vector<16xf32>
      %add3A_892 = arith.addf %add3A_884, %mul3A_891 : vector<16xf32>
      %swap3A_893 = arith.constant 2 : i32
      %swap3A_894 = arith.index_cast %swap3A_893 : i32 to index
      %swap3A_895 = arith.index_cast %mul3A_787 : i32 to index
      %swap3A_896 = tpu.vector_load %arg9[%swap3A_894, %swap3A_895] {strides = array<i32>} : memref<4x512xf32, #tpu.memory_space<vmem>>, vector<1x16xf32>,
      %swap3A_897 = vector.shape_cast %swap3A_896 : vector<1x16xf32> to vector<16xf32>
      %swap3A_898 = vector.shape_cast %add3A_892 : vector<16xf32> to vector<1x16xf32>
      tpu.vector_store %arg9[%swap3A_894, %swap3A_895], %swap3A_898 {strides = array<i32>} : memref<4x512xf32, #tpu.memory_space<vmem>>, vector<1x16xf32>,
      %get3A_899 = arith.constant 12 : i32
      %get3A_900 = arith.index_cast %get3A_899 : i32 to index
      %get3A_901 = arith.index_cast %mul3A_787 : i32 to index
      %get3A_902 = tpu.vector_load %arg8[%get3A_900, %get3A_901] {strides = array<i32>} : memref<16x512xf32, #tpu.memory_space<vmem>>, vector<1x16xf32>,
      %get3A_903 = vector.shape_cast %get3A_902 : vector<1x16xf32> to vector<16xf32>
      %mul3A_904 = vector.broadcast %squeeze3A_702 : f32 to vector<16xf32>
      %mul3A_905 = arith.mulf %mul3A_904, %get3A_903 : vector<16xf32>
      %get3A_906 = arith.constant 13 : i32
      %get3A_907 = arith.index_cast %get3A_906 : i32 to index
      %get3A_908 = arith.index_cast %mul3A_787 : i32 to index
      %get3A_909 = tpu.vector_load %arg8[%get3A_907, %get3A_908] {strides = array<i32>} : memref<16x512xf32, #tpu.memory_space<vmem>>, vector<1x16xf32>,
      %get3A_910 = vector.shape_cast %get3A_909 : vector<1x16xf32> to vector<16xf32>
      %mul3A_911 = vector.broadcast %squeeze3A_704 : f32 to vector<16xf32>
      %mul3A_912 = arith.mulf %mul3A_911, %get3A_910 : vector<16xf32>
      %add3A_913 = arith.addf %mul3A_905, %mul3A_912 : vector<16xf32>
      %get3A_914 = arith.constant 14 : i32
      %get3A_915 = arith.index_cast %get3A_914 : i32 to index
      %get3A_916 = arith.index_cast %mul3A_787 : i32 to index
      %get3A_917 = tpu.vector_load %arg8[%get3A_915, %get3A_916] {strides = array<i32>} : memref<16x512xf32, #tpu.memory_space<vmem>>, vector<1x16xf32>,
      %get3A_918 = vector.shape_cast %get3A_917 : vector<1x16xf32> to vector<16xf32>
      %mul3A_919 = vector.broadcast %squeeze3A_706 : f32 to vector<16xf32>
      %mul3A_920 = arith.mulf %mul3A_919, %get3A_918 : vector<16xf32>
      %add3A_921 = arith.addf %add3A_913, %mul3A_920 : vector<16xf32>
      %get3A_922 = arith.constant 15 : i32
      %get3A_923 = arith.index_cast %get3A_922 : i32 to index
      %get3A_924 = arith.index_cast %mul3A_787 : i32 to index
      %get3A_925 = tpu.vector_load %arg8[%get3A_923, %get3A_924] {strides = array<i32>} : memref<16x512xf32, #tpu.memory_space<vmem>>, vector<1x16xf32>,
      %get3A_926 = vector.shape_cast %get3A_925 : vector<1x16xf32> to vector<16xf32>
      %mul3A_927 = vector.broadcast %squeeze3A_708 : f32 to vector<16xf32>
      %mul3A_928 = arith.mulf %mul3A_927, %get3A_926 : vector<16xf32>
      %add3A_929 = arith.addf %add3A_921, %mul3A_928 : vector<16xf32>
      %swap3A_930 = arith.constant 3 : i32
      %swap3A_931 = arith.index_cast %swap3A_930 : i32 to index
      %swap3A_932 = arith.index_cast %mul3A_787 : i32 to index
      %swap3A_933 = tpu.vector_load %arg9[%swap3A_931, %swap3A_932] {strides = array<i32>} : memref<4x512xf32, #tpu.memory_space<vmem>>, vector<1x16xf32>,
      %swap3A_934 = vector.shape_cast %swap3A_933 : vector<1x16xf32> to vector<16xf32>
      %swap3A_935 = vector.shape_cast %add3A_929 : vector<16xf32> to vector<1x16xf32>
      tpu.vector_store %arg9[%swap3A_931, %swap3A_932], %swap3A_935 {strides = array<i32>} : memref<4x512xf32, #tpu.memory_space<vmem>>, vector<1x16xf32>,
    }
    %scan3A_713 = arith.constant 32 : i32
    %mul3A_714 = arith.constant 4 : i32
    %mul3A_715 = arith.muli %mul3A_714, %arg1 : i32
    %add3A_716 = arith.constant 0 : i32
    %add3A_717 = arith.addi %mul3A_715, %add3A_716 : i32
    %lt3A_718 = arith.constant 49 : i32
    %lt3A_719 = arith.cmpi slt, %add3A_717, %lt3A_718 : i32
    %convert_element_type3A_720 = arith.extui %lt3A_719 : i1 to i32
    %cond3A = arith.constant 0 : i32
    %cond3A_721 = arith.cmpi ne, %convert_element_type3A_720, %cond3A : i32
    scf.if %cond3A_721 {
      %mul3A_785 = arith.constant 4 : i32
      %mul3A_786 = arith.muli %mul3A_785, %arg1 : i32
      %add3A_787 = arith.constant 0 : i32
      %add3A_788 = arith.addi %mul3A_786, %add3A_787 : i32
      %div3A_789 = arith.constant 7 : i32
      %div3A_790 = arith.divsi %add3A_788, %div3A_789 : i32
      %rem3A_791 = arith.constant 7 : i32
      %rem3A_792 = arith.remsi %add3A_788, %rem3A_791 : i32
      %dma_start3A_793 = arith.constant 0 : i32
      %dma_start3A_794 = arith.constant 0 : i32
      %dma_start3A_795 = arith.constant 0 : i32
      %dma_start3A_796 = tpu.memref_slice %arg9[%dma_start3A_793, %dma_start3A_795] : memref<4x512xf32, #tpu.memory_space<vmem>> -> memref<1x512xf32, #tpu.memory_space<vmem>>
      %dma_start3A_797 = tpu.memref_squeeze %dma_start3A_796 : memref<1x512xf32, #tpu.memory_space<vmem>> -> memref<512xf32, #tpu.memory_space<vmem>>
      %dma_start3A_798 = arith.constant 0 : i32
      %dma_start3A_799 = tpu.memref_slice %arg4[%dma_start3A_794, %div3A_790, %rem3A_792, %dma_start3A_798] : memref<1x7x7x512xf32, #tpu.memory_space<hbm>> -> memref<1x1x1x512xf32, #tpu.memory_space<hbm>>
      %dma_start3A_800 = tpu.memref_squeeze %dma_start3A_799 : memref<1x1x1x512xf32, #tpu.memory_space<hbm>> -> memref<512xf32, #tpu.memory_space<hbm>>
      %dma_start3A_801 = arith.constant 0 : i32
      %dma_start3A_802 = tpu.memref_slice %arg4[%dma_start3A_794, %div3A_790, %rem3A_792, %dma_start3A_801] : memref<1x7x7x512xf32, #tpu.memory_space<hbm>> -> memref<1x1x1x512xf32, #tpu.memory_space<hbm>>
      %dma_start3A_803 = tpu.memref_squeeze %dma_start3A_802 : memref<1x1x1x512xf32, #tpu.memory_space<hbm>> -> memref<512xf32, #tpu.memory_space<hbm>>
      %dma_start3A_804 = arith.constant 0 : i32
      %dma_start3A_805 = tpu.memref_slice %arg9[%dma_start3A_793, %dma_start3A_804] : memref<4x512xf32, #tpu.memory_space<vmem>> -> memref<1x512xf32, #tpu.memory_space<vmem>>
      %dma_start3A_806 = tpu.memref_squeeze %dma_start3A_805 : memref<1x512xf32, #tpu.memory_space<vmem>> -> memref<512xf32, #tpu.memory_space<vmem>>
      tpu.enqueue_dma source(%dma_start3A_806 : memref<512xf32, #tpu.memory_space<vmem>>) target(%dma_start3A_803 : memref<512xf32, #tpu.memory_space<hbm>>) target_semaphore(%arg10 : memref<!tpu.dma_semaphore, #tpu.memory_space<semaphore_mem>>)
    } else {
    }
    %mul3A_722 = arith.constant 4 : i32
    %mul3A_723 = arith.muli %mul3A_722, %arg1 : i32
    %add3A_724 = arith.constant 1 : i32
    %add3A_725 = arith.addi %mul3A_723, %add3A_724 : i32
    %lt3A_726 = arith.constant 49 : i32
    %lt3A_727 = arith.cmpi slt, %add3A_725, %lt3A_726 : i32
    %convert_element_type3A_728 = arith.extui %lt3A_727 : i1 to i32
    %cond3A_729 = arith.constant 0 : i32
    %cond3A_730 = arith.cmpi ne, %convert_element_type3A_728, %cond3A_729 : i32
    scf.if %cond3A_730 {
      %mul3A_785 = arith.constant 4 : i32
      %mul3A_786 = arith.muli %mul3A_785, %arg1 : i32
      %add3A_787 = arith.constant 1 : i32
      %add3A_788 = arith.addi %mul3A_786, %add3A_787 : i32
      %div3A_789 = arith.constant 7 : i32
      %div3A_790 = arith.divsi %add3A_788, %div3A_789 : i32
      %rem3A_791 = arith.constant 7 : i32
      %rem3A_792 = arith.remsi %add3A_788, %rem3A_791 : i32
      %dma_start3A_793 = arith.constant 1 : i32
      %dma_start3A_794 = arith.constant 0 : i32
      %dma_start3A_795 = arith.constant 0 : i32
      %dma_start3A_796 = tpu.memref_slice %arg9[%dma_start3A_793, %dma_start3A_795] : memref<4x512xf32, #tpu.memory_space<vmem>> -> memref<1x512xf32, #tpu.memory_space<vmem>>
      %dma_start3A_797 = tpu.memref_squeeze %dma_start3A_796 : memref<1x512xf32, #tpu.memory_space<vmem>> -> memref<512xf32, #tpu.memory_space<vmem>>
      %dma_start3A_798 = arith.constant 0 : i32
      %dma_start3A_799 = tpu.memref_slice %arg4[%dma_start3A_794, %div3A_790, %rem3A_792, %dma_start3A_798] : memref<1x7x7x512xf32, #tpu.memory_space<hbm>> -> memref<1x1x1x512xf32, #tpu.memory_space<hbm>>
      %dma_start3A_800 = tpu.memref_squeeze %dma_start3A_799 : memref<1x1x1x512xf32, #tpu.memory_space<hbm>> -> memref<512xf32, #tpu.memory_space<hbm>>
      %dma_start3A_801 = arith.constant 0 : i32
      %dma_start3A_802 = tpu.memref_slice %arg4[%dma_start3A_794, %div3A_790, %rem3A_792, %dma_start3A_801] : memref<1x7x7x512xf32, #tpu.memory_space<hbm>> -> memref<1x1x1x512xf32, #tpu.memory_space<hbm>>
      %dma_start3A_803 = tpu.memref_squeeze %dma_start3A_802 : memref<1x1x1x512xf32, #tpu.memory_space<hbm>> -> memref<512xf32, #tpu.memory_space<hbm>>
      %dma_start3A_804 = arith.constant 0 : i32
      %dma_start3A_805 = tpu.memref_slice %arg9[%dma_start3A_793, %dma_start3A_804] : memref<4x512xf32, #tpu.memory_space<vmem>> -> memref<1x512xf32, #tpu.memory_space<vmem>>
      %dma_start3A_806 = tpu.memref_squeeze %dma_start3A_805 : memref<1x512xf32, #tpu.memory_space<vmem>> -> memref<512xf32, #tpu.memory_space<vmem>>
      tpu.enqueue_dma source(%dma_start3A_806 : memref<512xf32, #tpu.memory_space<vmem>>) target(%dma_start3A_803 : memref<512xf32, #tpu.memory_space<hbm>>) target_semaphore(%arg10 : memref<!tpu.dma_semaphore, #tpu.memory_space<semaphore_mem>>)
    } else {
    }
    %mul3A_731 = arith.constant 4 : i32
    %mul3A_732 = arith.muli %mul3A_731, %arg1 : i32
    %add3A_733 = arith.constant 2 : i32
    %add3A_734 = arith.addi %mul3A_732, %add3A_733 : i32
    %lt3A_735 = arith.constant 49 : i32
    %lt3A_736 = arith.cmpi slt, %add3A_734, %lt3A_735 : i32
    %convert_element_type3A_737 = arith.extui %lt3A_736 : i1 to i32
    %cond3A_738 = arith.constant 0 : i32
    %cond3A_739 = arith.cmpi ne, %convert_element_type3A_737, %cond3A_738 : i32
    scf.if %cond3A_739 {
      %mul3A_785 = arith.constant 4 : i32
      %mul3A_786 = arith.muli %mul3A_785, %arg1 : i32
      %add3A_787 = arith.constant 2 : i32
      %add3A_788 = arith.addi %mul3A_786, %add3A_787 : i32
      %div3A_789 = arith.constant 7 : i32
      %div3A_790 = arith.divsi %add3A_788, %div3A_789 : i32
      %rem3A_791 = arith.constant 7 : i32
      %rem3A_792 = arith.remsi %add3A_788, %rem3A_791 : i32
      %dma_start3A_793 = arith.constant 2 : i32
      %dma_start3A_794 = arith.constant 0 : i32
      %dma_start3A_795 = arith.constant 0 : i32
      %dma_start3A_796 = tpu.memref_slice %arg9[%dma_start3A_793, %dma_start3A_795] : memref<4x512xf32, #tpu.memory_space<vmem>> -> memref<1x512xf32, #tpu.memory_space<vmem>>
      %dma_start3A_797 = tpu.memref_squeeze %dma_start3A_796 : memref<1x512xf32, #tpu.memory_space<vmem>> -> memref<512xf32, #tpu.memory_space<vmem>>
      %dma_start3A_798 = arith.constant 0 : i32
      %dma_start3A_799 = tpu.memref_slice %arg4[%dma_start3A_794, %div3A_790, %rem3A_792, %dma_start3A_798] : memref<1x7x7x512xf32, #tpu.memory_space<hbm>> -> memref<1x1x1x512xf32, #tpu.memory_space<hbm>>
      %dma_start3A_800 = tpu.memref_squeeze %dma_start3A_799 : memref<1x1x1x512xf32, #tpu.memory_space<hbm>> -> memref<512xf32, #tpu.memory_space<hbm>>
      %dma_start3A_801 = arith.constant 0 : i32
      %dma_start3A_802 = tpu.memref_slice %arg4[%dma_start3A_794, %div3A_790, %rem3A_792, %dma_start3A_801] : memref<1x7x7x512xf32, #tpu.memory_space<hbm>> -> memref<1x1x1x512xf32, #tpu.memory_space<hbm>>
      %dma_start3A_803 = tpu.memref_squeeze %dma_start3A_802 : memref<1x1x1x512xf32, #tpu.memory_space<hbm>> -> memref<512xf32, #tpu.memory_space<hbm>>
      %dma_start3A_804 = arith.constant 0 : i32
      %dma_start3A_805 = tpu.memref_slice %arg9[%dma_start3A_793, %dma_start3A_804] : memref<4x512xf32, #tpu.memory_space<vmem>> -> memref<1x512xf32, #tpu.memory_space<vmem>>
      %dma_start3A_806 = tpu.memref_squeeze %dma_start3A_805 : memref<1x512xf32, #tpu.memory_space<vmem>> -> memref<512xf32, #tpu.memory_space<vmem>>
      tpu.enqueue_dma source(%dma_start3A_806 : memref<512xf32, #tpu.memory_space<vmem>>) target(%dma_start3A_803 : memref<512xf32, #tpu.memory_space<hbm>>) target_semaphore(%arg10 : memref<!tpu.dma_semaphore, #tpu.memory_space<semaphore_mem>>)
    } else {
    }
    %mul3A_740 = arith.constant 4 : i32
    %mul3A_741 = arith.muli %mul3A_740, %arg1 : i32
    %add3A_742 = arith.constant 3 : i32
    %add3A_743 = arith.addi %mul3A_741, %add3A_742 : i32
    %lt3A_744 = arith.constant 49 : i32
    %lt3A_745 = arith.cmpi slt, %add3A_743, %lt3A_744 : i32
    %convert_element_type3A_746 = arith.extui %lt3A_745 : i1 to i32
    %cond3A_747 = arith.constant 0 : i32
    %cond3A_748 = arith.cmpi ne, %convert_element_type3A_746, %cond3A_747 : i32
    scf.if %cond3A_748 {
      %mul3A_785 = arith.constant 4 : i32
      %mul3A_786 = arith.muli %mul3A_785, %arg1 : i32
      %add3A_787 = arith.constant 3 : i32
      %add3A_788 = arith.addi %mul3A_786, %add3A_787 : i32
      %div3A_789 = arith.constant 7 : i32
      %div3A_790 = arith.divsi %add3A_788, %div3A_789 : i32
      %rem3A_791 = arith.constant 7 : i32
      %rem3A_792 = arith.remsi %add3A_788, %rem3A_791 : i32
      %dma_start3A_793 = arith.constant 3 : i32
      %dma_start3A_794 = arith.constant 0 : i32
      %dma_start3A_795 = arith.constant 0 : i32
      %dma_start3A_796 = tpu.memref_slice %arg9[%dma_start3A_793, %dma_start3A_795] : memref<4x512xf32, #tpu.memory_space<vmem>> -> memref<1x512xf32, #tpu.memory_space<vmem>>
      %dma_start3A_797 = tpu.memref_squeeze %dma_start3A_796 : memref<1x512xf32, #tpu.memory_space<vmem>> -> memref<512xf32, #tpu.memory_space<vmem>>
      %dma_start3A_798 = arith.constant 0 : i32
      %dma_start3A_799 = tpu.memref_slice %arg4[%dma_start3A_794, %div3A_790, %rem3A_792, %dma_start3A_798] : memref<1x7x7x512xf32, #tpu.memory_space<hbm>> -> memref<1x1x1x512xf32, #tpu.memory_space<hbm>>
      %dma_start3A_800 = tpu.memref_squeeze %dma_start3A_799 : memref<1x1x1x512xf32, #tpu.memory_space<hbm>> -> memref<512xf32, #tpu.memory_space<hbm>>
      %dma_start3A_801 = arith.constant 0 : i32
      %dma_start3A_802 = tpu.memref_slice %arg4[%dma_start3A_794, %div3A_790, %rem3A_792, %dma_start3A_801] : memref<1x7x7x512xf32, #tpu.memory_space<hbm>> -> memref<1x1x1x512xf32, #tpu.memory_space<hbm>>
      %dma_start3A_803 = tpu.memref_squeeze %dma_start3A_802 : memref<1x1x1x512xf32, #tpu.memory_space<hbm>> -> memref<512xf32, #tpu.memory_space<hbm>>
      %dma_start3A_804 = arith.constant 0 : i32
      %dma_start3A_805 = tpu.memref_slice %arg9[%dma_start3A_793, %dma_start3A_804] : memref<4x512xf32, #tpu.memory_space<vmem>> -> memref<1x512xf32, #tpu.memory_space<vmem>>
      %dma_start3A_806 = tpu.memref_squeeze %dma_start3A_805 : memref<1x512xf32, #tpu.memory_space<vmem>> -> memref<512xf32, #tpu.memory_space<vmem>>
      tpu.enqueue_dma source(%dma_start3A_806 : memref<512xf32, #tpu.memory_space<vmem>>) target(%dma_start3A_803 : memref<512xf32, #tpu.memory_space<hbm>>) target_semaphore(%arg10 : memref<!tpu.dma_semaphore, #tpu.memory_space<semaphore_mem>>)
    } else {
    }
    %mul3A_749 = arith.constant 4 : i32
    %mul3A_750 = arith.muli %mul3A_749, %arg1 : i32
    %add3A_751 = arith.constant 0 : i32
    %add3A_752 = arith.addi %mul3A_750, %add3A_751 : i32
    %lt3A_753 = arith.constant 49 : i32
    %lt3A_754 = arith.cmpi slt, %add3A_752, %lt3A_753 : i32
    %convert_element_type3A_755 = arith.extui %lt3A_754 : i1 to i32
    %cond3A_756 = arith.constant 0 : i32
    %cond3A_757 = arith.cmpi ne, %convert_element_type3A_755, %cond3A_756 : i32
    scf.if %cond3A_757 {
      %mul3A_785 = arith.constant 4 : i32
      %mul3A_786 = arith.muli %mul3A_785, %arg1 : i32
      %add3A_787 = arith.constant 0 : i32
      %add3A_788 = arith.addi %mul3A_786, %add3A_787 : i32
      %div3A_789 = arith.constant 7 : i32
      %div3A_790 = arith.divsi %add3A_788, %div3A_789 : i32
      %rem3A_791 = arith.constant 7 : i32
      %rem3A_792 = arith.remsi %add3A_788, %rem3A_791 : i32
      %dma_wait3A_793 = arith.constant 0 : i32
      %dma_wait3A_794 = arith.constant 0 : i32
      %dma_wait3A_795 = arith.constant 0 : i32
      %dma_wait3A_796 = tpu.memref_slice %arg9[%dma_wait3A_793, %dma_wait3A_795] : memref<4x512xf32, #tpu.memory_space<vmem>> -> memref<1x512xf32, #tpu.memory_space<vmem>>
      %dma_wait3A_797 = tpu.memref_squeeze %dma_wait3A_796 : memref<1x512xf32, #tpu.memory_space<vmem>> -> memref<512xf32, #tpu.memory_space<vmem>>
      %dma_wait3A_798 = arith.constant 0 : i32
      %dma_wait3A_799 = tpu.memref_slice %arg4[%dma_wait3A_794, %div3A_790, %rem3A_792, %dma_wait3A_798] : memref<1x7x7x512xf32, #tpu.memory_space<hbm>> -> memref<1x1x1x512xf32, #tpu.memory_space<hbm>>
      %dma_wait3A_800 = tpu.memref_squeeze %dma_wait3A_799 : memref<1x1x1x512xf32, #tpu.memory_space<hbm>> -> memref<512xf32, #tpu.memory_space<hbm>>
      %dma_wait3A_801 = arith.constant 0 : i32
      %dma_wait3A_802 = tpu.memref_slice %arg4[%dma_wait3A_794, %div3A_790, %rem3A_792, %dma_wait3A_801] : memref<1x7x7x512xf32, #tpu.memory_space<hbm>> -> memref<1x1x1x512xf32, #tpu.memory_space<hbm>>
      %dma_wait3A_803 = tpu.memref_squeeze %dma_wait3A_802 : memref<1x1x1x512xf32, #tpu.memory_space<hbm>> -> memref<512xf32, #tpu.memory_space<hbm>>
      %dma_wait3A_804 = arith.constant 0 : i32
      %dma_wait3A_805 = tpu.memref_slice %arg9[%dma_wait3A_793, %dma_wait3A_804] : memref<4x512xf32, #tpu.memory_space<vmem>> -> memref<1x512xf32, #tpu.memory_space<vmem>>
      %dma_wait3A_806 = tpu.memref_squeeze %dma_wait3A_805 : memref<1x512xf32, #tpu.memory_space<vmem>> -> memref<512xf32, #tpu.memory_space<vmem>>
      tpu.wait_dma2 semaphore(%arg10 : memref<!tpu.dma_semaphore, #tpu.memory_space<semaphore_mem>>) src(%dma_wait3A_806 : memref<512xf32, #tpu.memory_space<vmem>>) dst(%dma_wait3A_803 : memref<512xf32, #tpu.memory_space<hbm>>)
    } else {
    }
    %mul3A_758 = arith.constant 4 : i32
    %mul3A_759 = arith.muli %mul3A_758, %arg1 : i32
    %add3A_760 = arith.constant 1 : i32
    %add3A_761 = arith.addi %mul3A_759, %add3A_760 : i32
    %lt3A_762 = arith.constant 49 : i32
    %lt3A_763 = arith.cmpi slt, %add3A_761, %lt3A_762 : i32
    %convert_element_type3A_764 = arith.extui %lt3A_763 : i1 to i32
    %cond3A_765 = arith.constant 0 : i32
    %cond3A_766 = arith.cmpi ne, %convert_element_type3A_764, %cond3A_765 : i32
    scf.if %cond3A_766 {
      %mul3A_785 = arith.constant 4 : i32
      %mul3A_786 = arith.muli %mul3A_785, %arg1 : i32
      %add3A_787 = arith.constant 1 : i32
      %add3A_788 = arith.addi %mul3A_786, %add3A_787 : i32
      %div3A_789 = arith.constant 7 : i32
      %div3A_790 = arith.divsi %add3A_788, %div3A_789 : i32
      %rem3A_791 = arith.constant 7 : i32
      %rem3A_792 = arith.remsi %add3A_788, %rem3A_791 : i32
      %dma_wait3A_793 = arith.constant 1 : i32
      %dma_wait3A_794 = arith.constant 0 : i32
      %dma_wait3A_795 = arith.constant 0 : i32
      %dma_wait3A_796 = tpu.memref_slice %arg9[%dma_wait3A_793, %dma_wait3A_795] : memref<4x512xf32, #tpu.memory_space<vmem>> -> memref<1x512xf32, #tpu.memory_space<vmem>>
      %dma_wait3A_797 = tpu.memref_squeeze %dma_wait3A_796 : memref<1x512xf32, #tpu.memory_space<vmem>> -> memref<512xf32, #tpu.memory_space<vmem>>
      %dma_wait3A_798 = arith.constant 0 : i32
      %dma_wait3A_799 = tpu.memref_slice %arg4[%dma_wait3A_794, %div3A_790, %rem3A_792, %dma_wait3A_798] : memref<1x7x7x512xf32, #tpu.memory_space<hbm>> -> memref<1x1x1x512xf32, #tpu.memory_space<hbm>>
      %dma_wait3A_800 = tpu.memref_squeeze %dma_wait3A_799 : memref<1x1x1x512xf32, #tpu.memory_space<hbm>> -> memref<512xf32, #tpu.memory_space<hbm>>
      %dma_wait3A_801 = arith.constant 0 : i32
      %dma_wait3A_802 = tpu.memref_slice %arg4[%dma_wait3A_794, %div3A_790, %rem3A_792, %dma_wait3A_801] : memref<1x7x7x512xf32, #tpu.memory_space<hbm>> -> memref<1x1x1x512xf32, #tpu.memory_space<hbm>>
      %dma_wait3A_803 = tpu.memref_squeeze %dma_wait3A_802 : memref<1x1x1x512xf32, #tpu.memory_space<hbm>> -> memref<512xf32, #tpu.memory_space<hbm>>
      %dma_wait3A_804 = arith.constant 0 : i32
      %dma_wait3A_805 = tpu.memref_slice %arg9[%dma_wait3A_793, %dma_wait3A_804] : memref<4x512xf32, #tpu.memory_space<vmem>> -> memref<1x512xf32, #tpu.memory_space<vmem>>
      %dma_wait3A_806 = tpu.memref_squeeze %dma_wait3A_805 : memref<1x512xf32, #tpu.memory_space<vmem>> -> memref<512xf32, #tpu.memory_space<vmem>>
      tpu.wait_dma2 semaphore(%arg10 : memref<!tpu.dma_semaphore, #tpu.memory_space<semaphore_mem>>) src(%dma_wait3A_806 : memref<512xf32, #tpu.memory_space<vmem>>) dst(%dma_wait3A_803 : memref<512xf32, #tpu.memory_space<hbm>>)
    } else {
    }
    %mul3A_767 = arith.constant 4 : i32
    %mul3A_768 = arith.muli %mul3A_767, %arg1 : i32
    %add3A_769 = arith.constant 2 : i32
    %add3A_770 = arith.addi %mul3A_768, %add3A_769 : i32
    %lt3A_771 = arith.constant 49 : i32
    %lt3A_772 = arith.cmpi slt, %add3A_770, %lt3A_771 : i32
    %convert_element_type3A_773 = arith.extui %lt3A_772 : i1 to i32
    %cond3A_774 = arith.constant 0 : i32
    %cond3A_775 = arith.cmpi ne, %convert_element_type3A_773, %cond3A_774 : i32
    scf.if %cond3A_775 {
      %mul3A_785 = arith.constant 4 : i32
      %mul3A_786 = arith.muli %mul3A_785, %arg1 : i32
      %add3A_787 = arith.constant 2 : i32
      %add3A_788 = arith.addi %mul3A_786, %add3A_787 : i32
      %div3A_789 = arith.constant 7 : i32
      %div3A_790 = arith.divsi %add3A_788, %div3A_789 : i32
      %rem3A_791 = arith.constant 7 : i32
      %rem3A_792 = arith.remsi %add3A_788, %rem3A_791 : i32
      %dma_wait3A_793 = arith.constant 2 : i32
      %dma_wait3A_794 = arith.constant 0 : i32
      %dma_wait3A_795 = arith.constant 0 : i32
      %dma_wait3A_796 = tpu.memref_slice %arg9[%dma_wait3A_793, %dma_wait3A_795] : memref<4x512xf32, #tpu.memory_space<vmem>> -> memref<1x512xf32, #tpu.memory_space<vmem>>
      %dma_wait3A_797 = tpu.memref_squeeze %dma_wait3A_796 : memref<1x512xf32, #tpu.memory_space<vmem>> -> memref<512xf32, #tpu.memory_space<vmem>>
      %dma_wait3A_798 = arith.constant 0 : i32
      %dma_wait3A_799 = tpu.memref_slice %arg4[%dma_wait3A_794, %div3A_790, %rem3A_792, %dma_wait3A_798] : memref<1x7x7x512xf32, #tpu.memory_space<hbm>> -> memref<1x1x1x512xf32, #tpu.memory_space<hbm>>
      %dma_wait3A_800 = tpu.memref_squeeze %dma_wait3A_799 : memref<1x1x1x512xf32, #tpu.memory_space<hbm>> -> memref<512xf32, #tpu.memory_space<hbm>>
      %dma_wait3A_801 = arith.constant 0 : i32
      %dma_wait3A_802 = tpu.memref_slice %arg4[%dma_wait3A_794, %div3A_790, %rem3A_792, %dma_wait3A_801] : memref<1x7x7x512xf32, #tpu.memory_space<hbm>> -> memref<1x1x1x512xf32, #tpu.memory_space<hbm>>
      %dma_wait3A_803 = tpu.memref_squeeze %dma_wait3A_802 : memref<1x1x1x512xf32, #tpu.memory_space<hbm>> -> memref<512xf32, #tpu.memory_space<hbm>>
      %dma_wait3A_804 = arith.constant 0 : i32
      %dma_wait3A_805 = tpu.memref_slice %arg9[%dma_wait3A_793, %dma_wait3A_804] : memref<4x512xf32, #tpu.memory_space<vmem>> -> memref<1x512xf32, #tpu.memory_space<vmem>>
      %dma_wait3A_806 = tpu.memref_squeeze %dma_wait3A_805 : memref<1x512xf32, #tpu.memory_space<vmem>> -> memref<512xf32, #tpu.memory_space<vmem>>
      tpu.wait_dma2 semaphore(%arg10 : memref<!tpu.dma_semaphore, #tpu.memory_space<semaphore_mem>>) src(%dma_wait3A_806 : memref<512xf32, #tpu.memory_space<vmem>>) dst(%dma_wait3A_803 : memref<512xf32, #tpu.memory_space<hbm>>)
    } else {
    }
    %mul3A_776 = arith.constant 4 : i32
    %mul3A_777 = arith.muli %mul3A_776, %arg1 : i32
    %add3A_778 = arith.constant 3 : i32
    %add3A_779 = arith.addi %mul3A_777, %add3A_778 : i32
    %lt3A_780 = arith.constant 49 : i32
    %lt3A_781 = arith.cmpi slt, %add3A_779, %lt3A_780 : i32
    %convert_element_type3A_782 = arith.extui %lt3A_781 : i1 to i32
    %cond3A_783 = arith.constant 0 : i32
    %cond3A_784 = arith.cmpi ne, %convert_element_type3A_782, %cond3A_783 : i32
    scf.if %cond3A_784 {
      %mul3A_785 = arith.constant 4 : i32
      %mul3A_786 = arith.muli %mul3A_785, %arg1 : i32
      %add3A_787 = arith.constant 3 : i32
      %add3A_788 = arith.addi %mul3A_786, %add3A_787 : i32
      %div3A_789 = arith.constant 7 : i32
      %div3A_790 = arith.divsi %add3A_788, %div3A_789 : i32
      %rem3A_791 = arith.constant 7 : i32
      %rem3A_792 = arith.remsi %add3A_788, %rem3A_791 : i32
      %dma_wait3A_793 = arith.constant 3 : i32
      %dma_wait3A_794 = arith.constant 0 : i32
      %dma_wait3A_795 = arith.constant 0 : i32
      %dma_wait3A_796 = tpu.memref_slice %arg9[%dma_wait3A_793, %dma_wait3A_795] : memref<4x512xf32, #tpu.memory_space<vmem>> -> memref<1x512xf32, #tpu.memory_space<vmem>>
      %dma_wait3A_797 = tpu.memref_squeeze %dma_wait3A_796 : memref<1x512xf32, #tpu.memory_space<vmem>> -> memref<512xf32, #tpu.memory_space<vmem>>
      %dma_wait3A_798 = arith.constant 0 : i32
      %dma_wait3A_799 = tpu.memref_slice %arg4[%dma_wait3A_794, %div3A_790, %rem3A_792, %dma_wait3A_798] : memref<1x7x7x512xf32, #tpu.memory_space<hbm>> -> memref<1x1x1x512xf32, #tpu.memory_space<hbm>>
      %dma_wait3A_800 = tpu.memref_squeeze %dma_wait3A_799 : memref<1x1x1x512xf32, #tpu.memory_space<hbm>> -> memref<512xf32, #tpu.memory_space<hbm>>
      %dma_wait3A_801 = arith.constant 0 : i32
      %dma_wait3A_802 = tpu.memref_slice %arg4[%dma_wait3A_794, %div3A_790, %rem3A_792, %dma_wait3A_801] : memref<1x7x7x512xf32, #tpu.memory_space<hbm>> -> memref<1x1x1x512xf32, #tpu.memory_space<hbm>>
      %dma_wait3A_803 = tpu.memref_squeeze %dma_wait3A_802 : memref<1x1x1x512xf32, #tpu.memory_space<hbm>> -> memref<512xf32, #tpu.memory_space<hbm>>
      %dma_wait3A_804 = arith.constant 0 : i32
      %dma_wait3A_805 = tpu.memref_slice %arg9[%dma_wait3A_793, %dma_wait3A_804] : memref<4x512xf32, #tpu.memory_space<vmem>> -> memref<1x512xf32, #tpu.memory_space<vmem>>
      %dma_wait3A_806 = tpu.memref_squeeze %dma_wait3A_805 : memref<1x512xf32, #tpu.memory_space<vmem>> -> memref<512xf32, #tpu.memory_space<vmem>>
      tpu.wait_dma2 semaphore(%arg10 : memref<!tpu.dma_semaphore, #tpu.memory_space<semaphore_mem>>) src(%dma_wait3A_806 : memref<512xf32, #tpu.memory_space<vmem>>) dst(%dma_wait3A_803 : memref<512xf32, #tpu.memory_space<hbm>>)
    } else {
    }
    return
  }
}

</mosaic_0001>

<sc_bundles>
// kernel: kernel.3.cloned.1.call-start
scs
__scs_entry_jumppad:
0x0: {  	(pc) =	sbr.rel $0x88, $3  }
0x1: {  	(tag) =	ssettag $0x0;
	lr =	simm.s32 $0x1  }
0x2: {  	[smem:$0x3F9F] =	sst lr;
	_ =	strace $0xD0000000  }
0x3: {  	_ = 	snop  }
0x4: {  	_ = 	snop  }
0x5: {  	_ = 	snop  }
0x6: {  	_ = 	snop  }
0x7: {  	_ = 	snop  }
__scs_overlays_trampoline_lowered:
0x8: {  	[smem:$0x3FAE] =	sst s0  }
0x9: {  	[smem:$0x3FAF] =	sst s1  }
0xa: {  	[smem:$0x3FB0] =	sst s2  }
0xb: {  	[smem:$0x3FB1] =	sst s3  }
0xc: {  	[smem:$0x3FB2] =	sst s4  }
0xd: {  	[smem:$0x3FB3] =	sst s5  }
0xe: {  	[smem:$0x3FB4] =	sst s6  }
0xf: {  	[smem:$0x3FB5] =	sst s7  }
0x10: {  	[smem:$0x3FB6] =	sst s8  }
0x11: {  	[smem:$0x3FB7] =	sst s9;
	s0 =	simm.s32 @!p0 $0x0  }
0x12: {  	s1 =	sld [smem:$0x3F9D];
	s0 =	simm.s32 @p0 $0x1  }
0x13: {  	[smem:$0x3FB8] =	sst s0;
	s0 =	simm.s32 @!p1 $0x0  }
0x14: {  	s2 =	sld [smem:$0x3F9C];
	s0 =	simm.s32 @p1 $0x1  }
0x15: {  	[smem:$0x3FB9] =	sst s0;
	s0 =	simm.s32 @!p2 $0x0  }
0x16: {  	s3 =	sld [smem:$0x3FDB];
	s0 =	simm.s32 @p2 $0x1  }
0x17: {  	s4 =	simm.s32 $0x1BF5;
	[smem:$0x3FBB] =	sst s0  }
0x18: {  	s0 =	sld [smem:$0x3F9E];
	_ =	swait.ge [sflag:s4], $0x0  }
0x19: {  	s7 =	sld [smem:$0x3F9F]  }
0x1a: {  	s8 =	sadd.s32 $0xFFFFE003, lr  }
0x1b: {  	s9 =	sadd.s32 $0xFFFFFEF7, lr;
	s5 =	simm.s32 $0xFFFFFFFF;
	p2 =	slt.u32 s8, $0xFFFFF086  }
0x1c: {  	p1 =	slt.u32 s9, $0xF7A;
	s5 =	simm.s32 @!p2 $0x0  }
0x1d: {  	s5 =	simm.s32 @p1 $0x1;
	p0 =	seq.s32 s7, s2  }
0x1e: {  	s7 =	smul.u32 @!p0 $0xF7A, s2;
	p2 =	seq.s32 @!p0 s5, $0x0  }
0x1f: {  	s9 =	smul.u32 $0xF7A, s1;
	s8 =	simm.s32 @!p0 $0x1BF5;
	p2 =	por !p2, p0  }
0x20: {  	[sflag:s8] =	ssyncset.s32 @!p0 $0xFFFFF086;
	s6 =	sadd.s32 @!p0 s3, s7;
	s7 =	simm.s32 @!p0 $0x108  }
0x21: {  	s3 =	sadd.s32 s3, s9;
	s6 =	sadd.s32 @!p0 $0x88, s6;
	s7 =	simm.s32 @p2 $0x1082  }
0x22: {  	[simem:s7], [sflag:s8] =	dma.local @!p0 [hbm:s6], $0xF7A  }
0x23: {  	s9 =	sor.u32 $0xD0000000, s2;
	s6 =	simm.s32 $0x108;
	_ =	swait.ge @!p0 [sflag:s8], $0x0  }
0x24: {  	s3 =	sadd.s32 $0x88, s3;
	s6 =	simm.s32 @!p1 $0x1082;
	[sflag:s4] =	ssyncset.s32 $0xFFFFF086  }
0x25: {  	[simem:s6], [sflag:s4] =	dma.local [hbm:s3], $0xF7A  }
0x26: {  	[smem:$0x3F9F] =	sst s1;
	(tag) =	ssettag s2;
	_ =	strace s9  }
0x27: {  	s1 =	sld [smem:$0x3FAF]  }
0x28: {  	s2 =	sld [smem:$0x3FB0]  }
0x29: {  	s4 =	sld [smem:$0x3FB2]  }
0x2a: {  	p0 =	seq.s32 s5, $0x0;
	s5 =	sld [smem:$0x3FB3]  }
0x2b: {  	s6 =	sld [smem:$0x3FB4]  }
0x2c: {  	s7 =	sld [smem:$0x3FB5]  }
0x2d: {  	s3 =	simm.s32 $0x108;
	s8 =	sld [smem:$0x3FB6]  }
0x2e: {  	s3 =	simm.s32 @!p0 $0x1082;
	s9 =	sld [smem:$0x3FB7]  }
0x2f: {  	lr =	sadd.s32 s0, s3;
	s0 =	sld [smem:$0x3FAE]  }
0x30: {  	s3 =	sld [smem:$0x3FB1]  }
0x31: {  	[smem:$0x3FBA] =	sst s10  }
0x32: {  	s10 =	sld [smem:$0x3FB8];
	_ =	sdelay $0x3  }
0x33: {  	p0 =	seq.s32 s10, $0x1;
	s10 =	sld [smem:$0x3FBA];
	_ =	sdelay $0x3  }
0x34: {  	[smem:$0x3FBA] =	sst s10  }
0x35: {  	s10 =	sld [smem:$0x3FB9];
	_ =	sdelay $0x3  }
0x36: {  	p1 =	seq.s32 s10, $0x1;
	s10 =	sld [smem:$0x3FBA];
	_ =	sdelay $0x3  }
0x37: {  	[smem:$0x3FBA] =	sst s10  }
0x38: {  	s10 =	sld [smem:$0x3FBB]  }
0x39: {  	_ = 	snop;
	(pc) =	sbr.ind lr, $3  }
0x3a: {  	_ = 	snop  }
0x3b: {  	_ = 	snop  }
0x3c: {  	p2 =	seq.s32 s10, $0x1;
	s10 =	sld [smem:$0x3FBA]  }
0x3d: {  	_ =	shalt  }
0x3e: {  	_ =	shalt  }
0x3f: {  	_ =	shalt  }
0x40: {  	_ =	shalt  }
0x41: {  	_ =	shalt  }
0x42: {  	_ =	shalt  }
0x43: {  	_ =	shalt  }
0x44: {  	_ =	shalt  }
0x45: {  	_ =	shalt  }
0x46: {  	_ =	shalt  }
0x47: {  	_ =	shalt  }
0x48: {  	_ =	shalt  }
0x49: {  	_ =	shalt  }
0x4a: {  	_ =	shalt  }
0x4b: {  	_ =	shalt  }
0x4c: {  	_ =	shalt  }
0x4d: {  	_ =	shalt  }
0x4e: {  	_ =	shalt  }
0x4f: {  	_ =	shalt  }
0x50: {  	_ =	shalt  }
0x51: {  	_ =	shalt  }
0x52: {  	_ =	shalt  }
0x53: {  	_ =	shalt  }
0x54: {  	_ =	shalt  }
0x55: {  	_ =	shalt  }
0x56: {  	_ =	shalt  }
0x57: {  	_ =	shalt  }
0x58: {  	_ =	shalt  }
0x59: {  	_ =	shalt  }
0x5a: {  	_ =	shalt  }
0x5b: {  	_ =	shalt  }
0x5c: {  	_ =	shalt  }
0x5d: {  	_ =	shalt  }
0x5e: {  	_ =	shalt  }
0x5f: {  	_ =	shalt  }
0x60: {  	_ =	shalt  }
0x61: {  	_ =	shalt  }
0x62: {  	_ =	shalt  }
0x63: {  	_ =	shalt  }
0x64: {  	_ =	shalt  }
0x65: {  	_ =	shalt  }
0x66: {  	_ =	shalt  }
0x67: {  	_ =	shalt  }
0x68: {  	_ =	shalt  }
0x69: {  	_ =	shalt  }
0x6a: {  	_ =	shalt  }
0x6b: {  	_ =	shalt  }
0x6c: {  	_ =	shalt  }
0x6d: {  	_ =	shalt  }
0x6e: {  	_ =	shalt  }
0x6f: {  	_ =	shalt  }
0x70: {  	_ =	shalt  }
0x71: {  	_ =	shalt  }
0x72: {  	_ =	shalt  }
0x73: {  	_ =	shalt  }
0x74: {  	_ =	shalt  }
0x75: {  	_ =	shalt  }
0x76: {  	_ =	shalt  }
0x77: {  	_ =	shalt  }
0x78: {  	_ =	shalt  }
0x79: {  	_ =	shalt  }
0x7a: {  	_ =	shalt  }
0x7b: {  	_ =	shalt  }
0x7c: {  	_ =	shalt  }
0x7d: {  	_ =	shalt  }
0x7e: {  	_ =	shalt  }
0x7f: {  	_ =	shalt  }
0x80: {  	_ =	shalt  }
0x81: {  	_ =	shalt  }
0x82: {  	_ =	shalt  }
0x83: {  	_ =	shalt  }
0x84: {  	_ =	shalt  }
0x85: {  	_ =	shalt  }
0x86: {  	_ =	shalt  }
0x87: {  	_ =	shalt  }
.Lfunc_end0:
.L_simem_size_0:
called_computation_lowered:
.L_overlay_start_0:
0x88: {  	s0 =	sld [smem:$0x3FD9]  }
0x89: {  	s1 =	sld [smem:$0x3FFE];
	_ =	sdelay $0x3  }
0x8a: {  	s0 =	sadd.s32 s1, s0  }
0x8b: {  	[smem:$0x3FC6] =	sst s0  }
0x8c: {  	_ = 	snop  }
0x8d: {  	s0 =	sld [smem:$0x3FD0];
	(tm) =	ssettm $0x1  }
0x8e: {  	s16 =	sld [smem:$0x3FFB];
	_ =	sdelay $0x3  }
0x8f: {  	_ =	strace s16  }
0x90: {  	s1 =	sld [smem:$0x3FFC];
	_ =	sdelay $0x3  }
0x91: {  	_ =	strace s1  }
0x92: {  	s1 =	sld [smem:$0x3FFD];
	_ =	sdelay $0x3  }
0x93: {  	_ =	strace s1  }
0x94: {  	_ =	strace $0x8FFFFFFF  }
0x95: {  	s17 =	sld [smem:$0x3FDB];
	_ =	sdelay $0x1  }
0x96: {  	s2 =	simm.s32 $_scs_section_size  }
0x97: {  	s3 =	simm.s32 $_size__tile_overlayer_lowered;
	s4 =	simm.s32 $_tile_overlayer_lowered  }
0x98: {  	s20 =	simm.s32 $0x1BFF;
	s19 =	sshll.u32 s4, $0x1;
	s1 =	sadd.s32 s2, s17  }
0x99: {  	s5 =	simm.s32 $0x0;
	s18 =	sshll.u32 s3, $0x1;
	s3 =	sadd.s32 s19, s1  }
0x9a: {  	[timem:s5], [sflag:s20] =	dma.local [hbm:s3], s18  }
0x9b: {  	_ =	swait.ge [sflag:s20], s18  }
0x9c: {  	s2 =	ssub.s32 $0x0, s18;
	[sflag:s20] =	ssyncset.done $0x0  }
0x9d: {  	[sflag:s20] =	ssyncadd.s32 s2;
	_ =	sdelay $0x1  }
0x9e: {  	s21 =	simm.s32 $0x1B8B  }
0x9f: {  	_ =	swait.ge [sflag:s21], $0x1  }
0xa0: {  	[sflag:s21] =	ssyncset.done $0x0  }
0xa1: {  	s23 =	simm.s32 $0x1B8E;
	s22 =	sld [smem:$0x3FFE];
	[sflag:s21] =	ssyncadd.s32 $0xFFFFFFFF  }
0xa2: {  	s24 =	simm.s32 $execute0_lowered;
	[smem:$0x3FD2] =	sst s23  }
0xa3: {  	s3 =	sshll.u32 s24, $0x1;
	_ =	strace $0x80000046;
	[dreg:$0x1] =	wrdreg $0xFFFFFFFF  }
0xa4: {  	s25 =	simm.s32 $_size_execute0_lowered;
	s1 =	sadd.s32 s1, s3;
	[dreg:$0x0] =	wrdreg $0x0  }
0xa5: {  	s3 =	sshll.u32 s25, $0x1;
	[dreg:$0x2] =	wrdreg s1  }
0xa6: {  	[dreg:$0x3] =	wrdreg s3  }
0xa7: {  	[dreg:$0x4] =	wrdreg $0xC0  }
0xa8: {  	_ =	task [dreg:s5], $0x5FFFF  }
0xa9: {  	[dreg:$0x1] =	wrdreg $0xFFFFFFFF  }
0xaa: {  	[dreg:$0x0] =	wrdreg $0x60  }
0xab: {  	[dreg:$0x2] =	wrdreg s22  }
0xac: {  	[dreg:$0x3] =	wrdreg s0  }
0xad: {  	[dreg:$0x4] =	wrdreg $0x9  }
0xae: {  	_ =	task.clear_ibuf [dreg:s5], $0x5FFFF;
	_ =	strace $0x90000046  }
0xaf: {  	s26 =	simm.s32 $0x9;
	_ =	strace $0x80000048  }
0xb0: {  	_ =	swait.ge [sflag:s26], $0x1  }
0xb1: {  	[sflag:s26] =	ssyncadd.s32 $0xFFFFFFFF  }
0xb2: {  	_ =	strace $0x90000048  }
0xb3: {  	_ =	sfence  }
0xb4: {  	s28 =	sld [smem:$0x0];
	_ =	sdelay $0x1  }
0xb5: {  	s29 =	srdreg.scid  }
0xb6: {  	s30 =	sshll.u32 s29, $0xD;
	s31 =	sshrl.u32 s29, $0x2  }
0xb7: {  	s2 =	sand.u32 $0x4000, s30;
	s1 =	sand.u32 $0x1, s29;
	s0 =	sadd.s32 s31, s28  }
0xb8: {  	s1 =	sor.u32 s2, s1;
	s0 =	sshll.u32 s0, $0x11  }
0xb9: {  	s0 =	sor.u32 s0, s1  }
0xba: {  	s0 =	sadd.s32 $0x8F2B, s0  }
0xbb: {  	[sflag:s0] =	ssyncadd.remote.s32 $0x1  }
0xbc: {  	_ =	sfence.sel $0xFFFF  }
0xbd: {  	[dreg:$0x0] =	wrdreg $0xFFFFFFFF;
	(pc) =	sbr.abs _section_cstart, $3  }
0xbe: {  	[dreg:$0x1] =	wrdreg $0xFFFFFFFF  }
0xbf: {  	_ =	task.clear_ibuf [dreg:s5], $0x2FFFF;
	_ =	strace $0x9FFFFFFF  }
0xc0: {  	(tm) =	ssettm $0x7FFFFFFF  }
0xc1: {  	_ =	shalt  }
tec
execute0_lowered:
.L_overlay_start_1:
0x0: {  	(tag) =	ssettag $0x1  }
0x1: {  	s4 =	rddreg [dreg:$0x0]  }
0x2: {  	s1 =	rddreg [dreg:$0x1];
	s3 =	simm.s32 $0x0  }
0x3: {  	[smem:$0x7FF] =	sst s3  }
0x4: {  	s0 =	rddreg [dreg:$0x2];
	v0 =	vimm.f32 $7.000000000e+00;
	_ =	strace $0x80000047  }
0x5: {  	(erf) = vrcp.f32 v0;
	_ =	sdelay $0x7  }
0x6: {  	s13 =	simm.s32 $0x2  }
0x7: {  	[tilespmem:s3], [sflag:$0x2] =	stream.linear.gather [hbm4b:s1+s3], $0x80, $0x38;
	v0 =	vpop (erf);
	[tilespmem:$0x2980] =	vst v63  }
0x8: {  	_ =	swait.ge [sflag:s13], $0x80  }
0x9: {  	[sflag:s13] =	ssyncset.done $0x0  }
0xa: {  	[sflag:s13] =	ssyncadd.s32 $0xFFFFFF80  }
0xb: {  	v1 =	vld [tilespmem:$0x0];
	_ =	sdelay $0x4  }
0xc: {  	v1 =	vtrunc.f32 v1  }
0xd: {  	v4 =	vcvt.f32.s32 v1;
	_ =	sdelay $0x1  }
0xe: {  	(v2sf) =	vpush v4, $0x0  }
0xf: {  	(v2sf) =	vpush v4, $0x1  }
0x10: {  	(v2sf) =	vpush v4, $0x2  }
0x11: {  	(v2sf) =	vpush v4, $0x3;
	_ =	sdelay $0x3  }
0x12: {  	s1 =	stileid.u32  }
0x13: {  	s2 =	sshll.u32 s1, $0x2  }
0x14: {  	v1 =	vmov s2  }
0x15: {  	v2 =	vlaneseq.u32;
	v1 =	vbroadcast v1, $0x0  }
0x16: {  	v2 =	vshrl.u32 v2, $0x2  }
0x17: {  	v1 =	vor.u32 v2, v1  }
0x18: {  	vm0 =	vlt.s32 v1, $0x30  }
0x19: {  	v1 =	vnsel vm0, $0x30, v1  }
0x1a: {  	v2 =	vmulhi.u32 $0x24924925, v1;
	s5 =	spop (v2sf)  }
0x1b: {  	s6 =	spop (v2sf)  }
0x1c: {  	v3 =	vsub.s32 v1, v2;
	s7 =	spop (v2sf)  }
0x1d: {  	v3 =	vshrl.u32 v3, $0x1;
	s8 =	spop (v2sf)  }
0x1e: {  	v2 =	vadd.s32 v2, v3;
	s6 =	ssub.s32 s8, s6  }
0x1f: {  	v2 =	vshrl.u32 v2, $0x2;
	s14 =	sadd.s32 $0x1, s6  }
0x20: {  	v3 =	vmul.u32 $0xFFFFFFF9, v2;
	s5 =	ssub.s32 s7, s5;
	s7 =	scvt.s32.f32 s14  }
0x21: {  	s15 =	sadd.s32 $0x1, s5  }
0x22: {  	v2 =	vcvt.s32.f32 v2;
	v1 =	vadd.s32 v1, v3;
	s8 =	scvt.s32.f32 s15;
	v3 =	vmul.f32 s7, v0  }
0x23: {  	vm5 =	vcmask $0x1710  }
0x24: {  	vm1 =	vcmask $0x700;
	v5 =	vmul.f32 s8, v0;
	v0 =	vmul.f32 v2, v3  }
0x25: {  	vm6 =	vcmask $0x2720;
	vm7 =	vcmask $0x3730;
	vm8 =	vcmask $0xB08  }
0x26: {  	vm9 =	vcmask $0x300;
	vm10 =	vcmask $0x1310;
	v2 =	vtrunc.f32 v0  }
0x27: {  	vm11 =	vcmask $0x1B18;
	v1 =	vcvt.s32.f32 v1;
	v2 =	vcvt.f32.s32 v2  }
0x28: {  	vm12 =	vcmask $0x2320;
	v6 =	vbroadcast v4, $0x1;
	vm0 =	vmor vm1, vm5  }
0x29: {  	vm1 =	vmor vm9, vm8;
	v1 =	vmul.f32 v1, v5;
	v5 =	vadd.s32 $0x1, v2  }
0x2a: {  	vm0 =	vmor vm0, vm6;
	vm1 =	vmor vm1, vm10;
	vm2 =	vlt.s32 v5, s6  }
0x2b: {  	vm0 =	vmor vm0, vm7;
	v3 =	vtrunc.f32 v1;
	v5 =	vnsel vm2, s6, v5  }
0x2c: {  	vm1 =	vmor vm1, vm11;
	v3 =	vcvt.f32.s32 v3;
	v5 =	vsel vm0, v2, v5  }
0x2d: {  	vm13 =	vcmask $0x2B28;
	vm1 =	vmor vm1, vm12;
	v5 =	vadd.s32 v6, v5  }
0x2e: {  	vm14 =	vcmask $0x3330;
	vm1 =	vmor vm1, vm13;
	[tilespmem:$0x80] =	vst v5;
	v5 =	vadd.s32 $0x1, v3  }
0x2f: {  	vm15 =	vcmask $0x3B38;
	vm1 =	vmor vm1, vm14;
	v6 =	vld [tilespmem:$0x80];
	vm3 =	vlt.s32 v5, s5  }
0x30: {  	v4 =	vbroadcast v4, $0x0;
	vm1 =	vmor vm1, vm15;
	v5 =	vnsel vm3, s5, v5  }
0x31: {  	v5 =	vsel vm1, v3, v5  }
0x32: {  	v4 =	vadd.s32 v4, v5  }
0x33: {  	(v2sf) =	vpush v4, $0x0  }
0x34: {  	v5 =	vmul.u32 $0x7000, v6;
	_ =	sdelay $0x1  }
0x35: {  	(v2sf) =	vpush v5, $0x0;
	_ =	sdelay $0x7  }
0x36: {  	(v2sf) =	vpush v4, $0x1;
	_ =	sdelay $0x3  }
0x37: {  	s16 =	spop (v2sf);
	(v2sf) =	vpush v5, $0x1;
	_ =	sdelay $0x1  }
0x38: {  	s17 =	sshll.u32 s16, $0x9  }
0x39: {  	s5 =	sshll.u32 s16, $0x7;
	s6 =	sand.u32 $0xFFFFF000, s17;
	s18 =	spop (v2sf)  }
0x3a: {  	s5 =	sand.u32 $0x380, s5;
	s6 =	sadd.s32 s18, s6  }
0x3b: {  	s6 =	sor.u32 s5, s6  }
0x3c: {  	s5 =	sadd.s32 $0x400, s4;
	s6 =	sshrl.u32 s6, $0x3  }
0x3d: {  	s19 =	simm.s32 $0x180;
	[tilespmem:$0x100] =	vst v4;
	s6 =	sadd.s32 s5, s6  }
0x3e: {  	(v2sf) =	vpush v4, $0x2;
	[tilespmem:s19], [sflag:$0x1] =	stream.linear.gather [hbm4b:s6+s3], $0x80, $0x38;
	[tilespmem:$0x2980] =	vst v63  }
0x3f: {  	s21 =	simm.s32 $0x580;
	s20 =	sadd.s32 $0x80, s6  }
0x40: {  	[tilespmem:s21], [sflag:$0x1] =	stream.linear.gather [hbm4b:s20+s3], $0x80, $0x38;
	[tilespmem:$0x2980] =	vst v63  }
0x41: {  	s23 =	simm.s32 $0x980;
	s25 =	spop (v2sf);
	s22 =	sadd.s32 $0x100, s6  }
0x42: {  	(v2sf) =	vpush v5, $0x2;
	[tilespmem:s23], [sflag:$0x1] =	stream.linear.gather [hbm4b:s22+s3], $0x80, $0x38;
	[tilespmem:$0x2980] =	vst v63  }
0x43: {  	s24 =	simm.s32 $0xD80;
	s26 =	sshll.u32 s25, $0x9;
	s6 =	sadd.s32 $0x180, s6  }
0x44: {  	[tilespmem:s24], [sflag:$0x1] =	stream.linear.gather [hbm4b:s6+s3], $0x80, $0x38;
	[tilespmem:$0x2980] =	vst v63  }
0x45: {  	s7 =	sand.u32 $0xFFFFF000, s26;
	s6 =	sshll.u32 s25, $0x7;
	s28 =	spop (v2sf)  }
0x46: {  	s6 =	sand.u32 $0x380, s6;
	s7 =	sadd.s32 s28, s7  }
0x47: {  	s6 =	sor.u32 s6, s7  }
0x48: {  	s6 =	sshrl.u32 s6, $0x3  }
0x49: {  	s29 =	simm.s32 $0x200;
	s6 =	sadd.s32 s5, s6  }
0x4a: {  	(v2sf) =	vpush v4, $0x3;
	[tilespmem:s29], [sflag:$0x1] =	stream.linear.gather [hbm4b:s6+s3], $0x80, $0x38;
	[tilespmem:$0x2980] =	vst v63  }
0x4b: {  	s31 =	simm.s32 $0x600;
	s30 =	sadd.s32 $0x80, s6  }
0x4c: {  	[tilespmem:s31], [sflag:$0x1] =	stream.linear.gather [hbm4b:s30+s3], $0x80, $0x38;
	[tilespmem:$0x2980] =	vst v63  }
0x4d: {  	s10 =	simm.s32 $0xA00;
	s12 =	spop (v2sf);
	s9 =	sadd.s32 $0x100, s6  }
0x4e: {  	(v2sf) =	vpush v5, $0x3;
	[tilespmem:s10], [sflag:$0x1] =	stream.linear.gather [hbm4b:s9+s3], $0x80, $0x38;
	[tilespmem:$0x2980] =	vst v63  }
0x4f: {  	s11 =	simm.s32 $0xE00;
	s13 =	sshll.u32 s12, $0x9;
	s6 =	sadd.s32 $0x180, s6  }
0x50: {  	[tilespmem:s11], [sflag:$0x1] =	stream.linear.gather [hbm4b:s6+s3], $0x80, $0x38;
	[tilespmem:$0x2980] =	vst v63  }
0x51: {  	s14 =	spop (v2sf);
	s7 =	sand.u32 $0xFFFFF000, s13;
	s6 =	sshll.u32 s12, $0x7  }
0x52: {  	s7 =	sadd.s32 s14, s7;
	s6 =	sand.u32 $0x380, s6  }
0x53: {  	s6 =	sor.u32 s6, s7  }
0x54: {  	s6 =	sshrl.u32 s6, $0x3  }
0x55: {  	s15 =	simm.s32 $0x280;
	s6 =	sadd.s32 s5, s6  }
0x56: {  	(v2sf) =	vpush v4, $0x4;
	[tilespmem:s15], [sflag:$0x1] =	stream.linear.gather [hbm4b:s6+s3], $0x80, $0x38;
	[tilespmem:$0x2980] =	vst v63  }
0x57: {  	s17 =	simm.s32 $0x680;
	s16 =	sadd.s32 $0x80, s6  }
0x58: {  	[tilespmem:s17], [sflag:$0x1] =	stream.linear.gather [hbm4b:s16+s3], $0x80, $0x38;
	[tilespmem:$0x2980] =	vst v63  }
0x59: {  	s19 =	simm.s32 $0xA80;
	s21 =	spop (v2sf);
	s18 =	sadd.s32 $0x100, s6  }
0x5a: {  	(v2sf) =	vpush v5, $0x4;
	[tilespmem:s19], [sflag:$0x1] =	stream.linear.gather [hbm4b:s18+s3], $0x80, $0x38;
	[tilespmem:$0x2980] =	vst v63  }
0x5b: {  	s20 =	simm.s32 $0xE80;
	s6 =	sadd.s32 $0x180, s6;
	s22 =	sshll.u32 s21, $0x9  }
0x5c: {  	[tilespmem:s20], [sflag:$0x1] =	stream.linear.gather [hbm4b:s6+s3], $0x80, $0x38;
	[tilespmem:$0x2980] =	vst v63  }
0x5d: {  	s7 =	sand.u32 $0xFFFFF000, s22;
	s23 =	spop (v2sf);
	s6 =	sshll.u32 s21, $0x7  }
0x5e: {  	s7 =	sadd.s32 s23, s7;
	s6 =	sand.u32 $0x380, s6  }
0x5f: {  	s6 =	sor.u32 s6, s7  }
0x60: {  	s6 =	sshrl.u32 s6, $0x3  }
0x61: {  	s24 =	simm.s32 $0x300;
	s6 =	sadd.s32 s5, s6  }
0x62: {  	(v2sf) =	vpush v4, $0x5;
	[tilespmem:s24], [sflag:$0x1] =	stream.linear.gather [hbm4b:s6+s3], $0x80, $0x38;
	[tilespmem:$0x2980] =	vst v63  }
0x63: {  	s26 =	simm.s32 $0x700;
	s25 =	sadd.s32 $0x80, s6  }
0x64: {  	[tilespmem:s26], [sflag:$0x1] =	stream.linear.gather [hbm4b:s25+s3], $0x80, $0x38;
	[tilespmem:$0x2980] =	vst v63  }
0x65: {  	s29 =	simm.s32 $0xB00;
	s31 =	spop (v2sf);
	s28 =	sadd.s32 $0x100, s6  }
0x66: {  	(v2sf) =	vpush v5, $0x5;
	[tilespmem:s29], [sflag:$0x1] =	stream.linear.gather [hbm4b:s28+s3], $0x80, $0x38;
	[tilespmem:$0x2980] =	vst v63  }
0x67: {  	s30 =	simm.s32 $0xF00;
	s8 =	sshll.u32 s31, $0x9;
	s6 =	sadd.s32 $0x180, s6  }
0x68: {  	[tilespmem:s30], [sflag:$0x1] =	stream.linear.gather [hbm4b:s6+s3], $0x80, $0x38;
	[tilespmem:$0x2980] =	vst v63  }
0x69: {  	s7 =	sand.u32 $0xFFFFF000, s8;
	s9 =	spop (v2sf);
	s6 =	sshll.u32 s31, $0x7  }
0x6a: {  	s7 =	sadd.s32 s9, s7;
	s6 =	sand.u32 $0x380, s6  }
0x6b: {  	s6 =	sor.u32 s6, s7  }
0x6c: {  	s6 =	sshrl.u32 s6, $0x3  }
0x6d: {  	s10 =	simm.s32 $0x380;
	s6 =	sadd.s32 s5, s6  }
0x6e: {  	(v2sf) =	vpush v4, $0x6;
	[tilespmem:s10], [sflag:$0x1] =	stream.linear.gather [hbm4b:s6+s3], $0x80, $0x38;
	[tilespmem:$0x2980] =	vst v63  }
0x6f: {  	s12 =	simm.s32 $0x780;
	s11 =	sadd.s32 $0x80, s6  }
0x70: {  	[tilespmem:s12], [sflag:$0x1] =	stream.linear.gather [hbm4b:s11+s3], $0x80, $0x38;
	[tilespmem:$0x2980] =	vst v63  }
0x71: {  	s14 =	simm.s32 $0xB80;
	s16 =	spop (v2sf);
	s13 =	sadd.s32 $0x100, s6  }
0x72: {  	(v2sf) =	vpush v5, $0x6;
	[tilespmem:s14], [sflag:$0x1] =	stream.linear.gather [hbm4b:s13+s3], $0x80, $0x38;
	[tilespmem:$0x2980] =	vst v63  }
0x73: {  	s15 =	simm.s32 $0xF80;
	s17 =	sshll.u32 s16, $0x9;
	s6 =	sadd.s32 $0x180, s6  }
0x74: {  	[tilespmem:s15], [sflag:$0x1] =	stream.linear.gather [hbm4b:s6+s3], $0x80, $0x38;
	[tilespmem:$0x2980] =	vst v63  }
0x75: {  	s18 =	spop (v2sf);
	s7 =	sand.u32 $0xFFFFF000, s17;
	s6 =	sshll.u32 s16, $0x7  }
0x76: {  	s7 =	sadd.s32 s18, s7;
	s6 =	sand.u32 $0x380, s6  }
0x77: {  	s6 =	sor.u32 s6, s7  }
0x78: {  	s6 =	sshrl.u32 s6, $0x3  }
0x79: {  	s19 =	simm.s32 $0x400;
	s6 =	sadd.s32 s5, s6  }
0x7a: {  	(v2sf) =	vpush v4, $0x7;
	[tilespmem:s19], [sflag:$0x1] =	stream.linear.gather [hbm4b:s6+s3], $0x80, $0x38;
	[tilespmem:$0x2980] =	vst v63  }
0x7b: {  	s21 =	simm.s32 $0x800;
	s20 =	sadd.s32 $0x80, s6  }
0x7c: {  	[tilespmem:s21], [sflag:$0x1] =	stream.linear.gather [hbm4b:s20+s3], $0x80, $0x38;
	[tilespmem:$0x2980] =	vst v63  }
0x7d: {  	s23 =	simm.s32 $0xC00;
	s25 =	spop (v2sf);
	s22 =	sadd.s32 $0x100, s6  }
0x7e: {  	(v2sf) =	vpush v5, $0x7;
	[tilespmem:s23], [sflag:$0x1] =	stream.linear.gather [hbm4b:s22+s3], $0x80, $0x38;
	[tilespmem:$0x2980] =	vst v63  }
0x7f: {  	s24 =	simm.s32 $0x1000;
	s26 =	sshll.u32 s25, $0x9;
	s6 =	sadd.s32 $0x180, s6  }
0x80: {  	[tilespmem:s24], [sflag:$0x1] =	stream.linear.gather [hbm4b:s6+s3], $0x80, $0x38;
	[tilespmem:$0x2980] =	vst v63  }
0x81: {  	s7 =	sand.u32 $0xFFFFF000, s26;
	s28 =	spop (v2sf);
	s6 =	sshll.u32 s25, $0x7  }
0x82: {  	s7 =	sadd.s32 s28, s7;
	s6 =	sand.u32 $0x380, s6  }
0x83: {  	s6 =	sor.u32 s6, s7  }
0x84: {  	s6 =	sshrl.u32 s6, $0x3  }
0x85: {  	s29 =	simm.s32 $0x480;
	s6 =	sadd.s32 s5, s6  }
0x86: {  	(v2sf) =	vpush v4, $0x8;
	[tilespmem:s29], [sflag:$0x1] =	stream.linear.gather [hbm4b:s6+s3], $0x80, $0x38;
	[tilespmem:$0x2980] =	vst v63  }
0x87: {  	s31 =	simm.s32 $0x880;
	s30 =	sadd.s32 $0x80, s6  }
0x88: {  	[tilespmem:s31], [sflag:$0x1] =	stream.linear.gather [hbm4b:s30+s3], $0x80, $0x38;
	[tilespmem:$0x2980] =	vst v63  }
0x89: {  	s10 =	simm.s32 $0xC80;
	s12 =	spop (v2sf);
	s9 =	sadd.s32 $0x100, s6  }
0x8a: {  	(v2sf) =	vpush v5, $0x8;
	[tilespmem:s10], [sflag:$0x1] =	stream.linear.gather [hbm4b:s9+s3], $0x80, $0x38;
	[tilespmem:$0x2980] =	vst v63  }
0x8b: {  	s11 =	simm.s32 $0x1080;
	s13 =	sshll.u32 s12, $0x9;
	s6 =	sadd.s32 $0x180, s6  }
0x8c: {  	[tilespmem:s11], [sflag:$0x1] =	stream.linear.gather [hbm4b:s6+s3], $0x80, $0x38;
	[tilespmem:$0x2980] =	vst v63  }
0x8d: {  	s7 =	sand.u32 $0xFFFFF000, s13;
	s14 =	spop (v2sf);
	s6 =	sshll.u32 s12, $0x7  }
0x8e: {  	s7 =	sadd.s32 s14, s7;
	s6 =	sand.u32 $0x380, s6  }
0x8f: {  	s6 =	sor.u32 s6, s7  }
0x90: {  	s6 =	sshrl.u32 s6, $0x3  }
0x91: {  	s15 =	simm.s32 $0x500;
	s6 =	sadd.s32 s5, s6  }
0x92: {  	(v2sf) =	vpush v4, $0x9;
	[tilespmem:s15], [sflag:$0x1] =	stream.linear.gather [hbm4b:s6+s3], $0x80, $0x38;
	[tilespmem:$0x2980] =	vst v63  }
0x93: {  	s17 =	simm.s32 $0x900;
	s16 =	sadd.s32 $0x80, s6  }
0x94: {  	[tilespmem:s17], [sflag:$0x1] =	stream.linear.gather [hbm4b:s16+s3], $0x80, $0x38;
	[tilespmem:$0x2980] =	vst v63  }
0x95: {  	s19 =	simm.s32 $0xD00;
	s21 =	spop (v2sf);
	s18 =	sadd.s32 $0x100, s6  }
0x96: {  	(v2sf) =	vpush v5, $0x9;
	[tilespmem:s19], [sflag:$0x1] =	stream.linear.gather [hbm4b:s18+s3], $0x80, $0x38;
	[tilespmem:$0x2980] =	vst v63  }
0x97: {  	s20 =	simm.s32 $0x1100;
	s22 =	sshll.u32 s21, $0x9;
	s6 =	sadd.s32 $0x180, s6  }
0x98: {  	[tilespmem:s20], [sflag:$0x1] =	stream.linear.gather [hbm4b:s6+s3], $0x80, $0x38;
	[tilespmem:$0x2980] =	vst v63  }
0x99: {  	s23 =	spop (v2sf);
	s7 =	sand.u32 $0xFFFFF000, s22;
	s6 =	sshll.u32 s21, $0x7  }
0x9a: {  	s7 =	sadd.s32 s23, s7;
	s6 =	sand.u32 $0x380, s6  }
0x9b: {  	s6 =	sor.u32 s6, s7  }
0x9c: {  	s6 =	sshrl.u32 s6, $0x3  }
0x9d: {  	s24 =	simm.s32 $0x1180;
	s6 =	sadd.s32 s5, s6  }
0x9e: {  	(v2sf) =	vpush v4, $0xA;
	[tilespmem:s24], [sflag:$0x1] =	stream.linear.gather [hbm4b:s6+s3], $0x80, $0x38;
	[tilespmem:$0x2980] =	vst v63  }
0x9f: {  	s26 =	simm.s32 $0x1580;
	s25 =	sadd.s32 $0x80, s6  }
0xa0: {  	[tilespmem:s26], [sflag:$0x1] =	stream.linear.gather [hbm4b:s25+s3], $0x80, $0x38;
	[tilespmem:$0x2980] =	vst v63  }
0xa1: {  	s29 =	simm.s32 $0x1980;
	s31 =	spop (v2sf);
	s28 =	sadd.s32 $0x100, s6  }
0xa2: {  	(v2sf) =	vpush v5, $0xA;
	[tilespmem:s29], [sflag:$0x1] =	stream.linear.gather [hbm4b:s28+s3], $0x80, $0x38;
	[tilespmem:$0x2980] =	vst v63  }
0xa3: {  	s30 =	simm.s32 $0x1D80;
	s8 =	sshll.u32 s31, $0x9;
	s6 =	sadd.s32 $0x180, s6  }
0xa4: {  	[tilespmem:s30], [sflag:$0x1] =	stream.linear.gather [hbm4b:s6+s3], $0x80, $0x38;
	[tilespmem:$0x2980] =	vst v63  }
0xa5: {  	s9 =	spop (v2sf);
	s7 =	sand.u32 $0xFFFFF000, s8;
	s6 =	sshll.u32 s31, $0x7  }
0xa6: {  	s7 =	sadd.s32 s9, s7;
	s6 =	sand.u32 $0x380, s6  }
0xa7: {  	s6 =	sor.u32 s6, s7  }
0xa8: {  	s6 =	sshrl.u32 s6, $0x3  }
0xa9: {  	s10 =	simm.s32 $0x1200;
	s6 =	sadd.s32 s5, s6  }
0xaa: {  	(v2sf) =	vpush v4, $0xB;
	[tilespmem:s10], [sflag:$0x1] =	stream.linear.gather [hbm4b:s6+s3], $0x80, $0x38;
	[tilespmem:$0x2980] =	vst v63  }
0xab: {  	s12 =	simm.s32 $0x1600;
	s11 =	sadd.s32 $0x80, s6  }
0xac: {  	[tilespmem:s12], [sflag:$0x1] =	stream.linear.gather [hbm4b:s11+s3], $0x80, $0x38;
	[tilespmem:$0x2980] =	vst v63  }
0xad: {  	s14 =	simm.s32 $0x1A00;
	s16 =	spop (v2sf);
	s13 =	sadd.s32 $0x100, s6  }
0xae: {  	(v2sf) =	vpush v5, $0xB;
	[tilespmem:s14], [sflag:$0x1] =	stream.linear.gather [hbm4b:s13+s3], $0x80, $0x38;
	[tilespmem:$0x2980] =	vst v63  }
0xaf: {  	s15 =	simm.s32 $0x1E00;
	s17 =	sshll.u32 s16, $0x9;
	s6 =	sadd.s32 $0x180, s6  }
0xb0: {  	[tilespmem:s15], [sflag:$0x1] =	stream.linear.gather [hbm4b:s6+s3], $0x80, $0x38;
	[tilespmem:$0x2980] =	vst v63  }
0xb1: {  	s7 =	sand.u32 $0xFFFFF000, s17;
	s18 =	spop (v2sf);
	s6 =	sshll.u32 s16, $0x7  }
0xb2: {  	s7 =	sadd.s32 s18, s7;
	s6 =	sand.u32 $0x380, s6  }
0xb3: {  	s6 =	sor.u32 s6, s7  }
0xb4: {  	s6 =	sshrl.u32 s6, $0x3  }
0xb5: {  	s19 =	simm.s32 $0x1280;
	s6 =	sadd.s32 s5, s6  }
0xb6: {  	(v2sf) =	vpush v4, $0xC;
	[tilespmem:s19], [sflag:$0x1] =	stream.linear.gather [hbm4b:s6+s3], $0x80, $0x38;
	[tilespmem:$0x2980] =	vst v63  }
0xb7: {  	s21 =	simm.s32 $0x1680;
	s20 =	sadd.s32 $0x80, s6  }
0xb8: {  	[tilespmem:s21], [sflag:$0x1] =	stream.linear.gather [hbm4b:s20+s3], $0x80, $0x38;
	[tilespmem:$0x2980] =	vst v63  }
0xb9: {  	s23 =	simm.s32 $0x1A80;
	s25 =	spop (v2sf);
	s22 =	sadd.s32 $0x100, s6  }
0xba: {  	(v2sf) =	vpush v5, $0xC;
	[tilespmem:s23], [sflag:$0x1] =	stream.linear.gather [hbm4b:s22+s3], $0x80, $0x38;
	[tilespmem:$0x2980] =	vst v63  }
0xbb: {  	s24 =	simm.s32 $0x1E80;
	s26 =	sshll.u32 s25, $0x9;
	s6 =	sadd.s32 $0x180, s6  }
0xbc: {  	[tilespmem:s24], [sflag:$0x1] =	stream.linear.gather [hbm4b:s6+s3], $0x80, $0x38;
	[tilespmem:$0x2980] =	vst v63  }
0xbd: {  	s28 =	spop (v2sf);
	s7 =	sand.u32 $0xFFFFF000, s26;
	s6 =	sshll.u32 s25, $0x7  }
0xbe: {  	s7 =	sadd.s32 s28, s7;
	s6 =	sand.u32 $0x380, s6  }
0xbf: {  	s6 =	sor.u32 s6, s7  }
0xc0: {  	s6 =	sshrl.u32 s6, $0x3  }
0xc1: {  	s29 =	simm.s32 $0x1300;
	s6 =	sadd.s32 s5, s6  }
0xc2: {  	(v2sf) =	vpush v4, $0xD;
	[tilespmem:s29], [sflag:$0x1] =	stream.linear.gather [hbm4b:s6+s3], $0x80, $0x38;
	[tilespmem:$0x2980] =	vst v63  }
0xc3: {  	s31 =	simm.s32 $0x1700;
	s30 =	sadd.s32 $0x80, s6  }
0xc4: {  	[tilespmem:s31], [sflag:$0x1] =	stream.linear.gather [hbm4b:s30+s3], $0x80, $0x38;
	[tilespmem:$0x2980] =	vst v63  }
0xc5: {  	s10 =	simm.s32 $0x1B00;
	s12 =	spop (v2sf);
	s9 =	sadd.s32 $0x100, s6  }
0xc6: {  	(v2sf) =	vpush v5, $0xD;
	[tilespmem:s10], [sflag:$0x1] =	stream.linear.gather [hbm4b:s9+s3], $0x80, $0x38;
	[tilespmem:$0x2980] =	vst v63  }
0xc7: {  	s11 =	simm.s32 $0x1F00;
	s13 =	sshll.u32 s12, $0x9;
	s6 =	sadd.s32 $0x180, s6  }
0xc8: {  	[tilespmem:s11], [sflag:$0x1] =	stream.linear.gather [hbm4b:s6+s3], $0x80, $0x38;
	[tilespmem:$0x2980] =	vst v63  }
0xc9: {  	s14 =	spop (v2sf);
	s7 =	sand.u32 $0xFFFFF000, s13;
	s6 =	sshll.u32 s12, $0x7  }
0xca: {  	(v2sf) =	vpush v4, $0xE;
	s7 =	sadd.s32 s14, s7;
	s6 =	sand.u32 $0x380, s6  }
0xcb: {  	s6 =	sor.u32 s6, s7  }
0xcc: {  	s6 =	sshrl.u32 s6, $0x3  }
0xcd: {  	s15 =	simm.s32 $0x1380;
	s6 =	sadd.s32 s5, s6  }
0xce: {  	[tilespmem:s15], [sflag:$0x1] =	stream.linear.gather [hbm4b:s6+s3], $0x80, $0x38;
	[tilespmem:$0x2980] =	vst v63  }
0xcf: {  	s17 =	simm.s32 $0x1780;
	s16 =	sadd.s32 $0x80, s6  }
0xd0: {  	[tilespmem:s17], [sflag:$0x1] =	stream.linear.gather [hbm4b:s16+s3], $0x80, $0x38;
	[tilespmem:$0x2980] =	vst v63  }
0xd1: {  	s19 =	simm.s32 $0x1B80;
	s21 =	spop (v2sf);
	s18 =	sadd.s32 $0x100, s6  }
0xd2: {  	(v2sf) =	vpush v5, $0xE;
	[tilespmem:s19], [sflag:$0x1] =	stream.linear.gather [hbm4b:s18+s3], $0x80, $0x38;
	[tilespmem:$0x2980] =	vst v63  }
0xd3: {  	s20 =	simm.s32 $0x1F80;
	s22 =	sshll.u32 s21, $0x9;
	s6 =	sadd.s32 $0x180, s6  }
0xd4: {  	[tilespmem:s20], [sflag:$0x1] =	stream.linear.gather [hbm4b:s6+s3], $0x80, $0x38;
	[tilespmem:$0x2980] =	vst v63  }
0xd5: {  	s23 =	spop (v2sf);
	s7 =	sand.u32 $0xFFFFF000, s22;
	s6 =	sshll.u32 s21, $0x7  }
0xd6: {  	s7 =	sadd.s32 s23, s7;
	s6 =	sand.u32 $0x380, s6  }
0xd7: {  	s6 =	sor.u32 s6, s7  }
0xd8: {  	(v2sf) =	vpush v5, $0xF;
	s6 =	sshrl.u32 s6, $0x3  }
0xd9: {  	s24 =	simm.s32 $0x1400;
	s31 =	spop (v2sf);
	s6 =	sadd.s32 s5, s6  }
0xda: {  	(v2sf) =	vpush v4, $0xF;
	[tilespmem:s24], [sflag:$0x1] =	stream.linear.gather [hbm4b:s6+s3], $0x80, $0x38;
	[tilespmem:$0x2980] =	vst v63  }
0xdb: {  	s26 =	simm.s32 $0x1800;
	s25 =	sadd.s32 $0x80, s6  }
0xdc: {  	[tilespmem:s26], [sflag:$0x1] =	stream.linear.gather [hbm4b:s25+s3], $0x80, $0x38;
	[tilespmem:$0x2980] =	vst v63  }
0xdd: {  	s29 =	simm.s32 $0x1C00;
	s28 =	sadd.s32 $0x100, s6  }
0xde: {  	[tilespmem:s29], [sflag:$0x1] =	stream.linear.gather [hbm4b:s28+s3], $0x80, $0x38;
	[tilespmem:$0x2980] =	vst v63  }
0xdf: {  	s30 =	simm.s32 $0x2000;
	s9 =	sshll.u32 s31, $0x9;
	s6 =	sadd.s32 $0x180, s6  }
0xe0: {  	[tilespmem:s30], [sflag:$0x1] =	stream.linear.gather [hbm4b:s6+s3], $0x80, $0x38;
	[tilespmem:$0x2980] =	vst v63  }
0xe1: {  	s10 =	spop (v2sf);
	s8 =	sshll.u32 s31, $0x7;
	s6 =	sand.u32 $0xFFFFF000, s9  }
0xe2: {  	s11 =	sand.u32 $0x380, s8;
	s6 =	sadd.s32 s10, s6  }
0xe3: {  	s6 =	sor.u32 s11, s6  }
0xe4: {  	s6 =	sshrl.u32 s6, $0x3  }
0xe5: {  	s12 =	simm.s32 $0x1480;
	s6 =	sadd.s32 s5, s6  }
0xe6: {  	[tilespmem:s12], [sflag:$0x1] =	stream.linear.gather [hbm4b:s6+s3], $0x80, $0x38;
	[tilespmem:$0x2980] =	vst v63  }
0xe7: {  	s14 =	simm.s32 $0x1880;
	s17 =	spop (v2sf);
	s13 =	sadd.s32 $0x80, s6  }
0xe8: {  	[tilespmem:s14], [sflag:$0x1] =	stream.linear.gather [hbm4b:s13+s3], $0x80, $0x38;
	[tilespmem:$0x2980] =	vst v63  }
0xe9: {  	s16 =	simm.s32 $0x1C80;
	s19 =	spop (v2sf);
	s15 =	sadd.s32 $0x100, s6  }
0xea: {  	[tilespmem:s16], [sflag:$0x1] =	stream.linear.gather [hbm4b:s15+s3], $0x80, $0x38;
	[tilespmem:$0x2980] =	vst v63  }
0xeb: {  	s18 =	simm.s32 $0x2080;
	s20 =	sshll.u32 s19, $0x9;
	s6 =	sadd.s32 $0x180, s6  }
0xec: {  	[tilespmem:s18], [sflag:$0x1] =	stream.linear.gather [hbm4b:s6+s3], $0x80, $0x38;
	[tilespmem:$0x2980] =	vst v63  }
0xed: {  	s8 =	sand.u32 $0xFFFFF000, s20;
	s6 =	sshll.u32 s19, $0x7  }
0xee: {  	s7 =	sadd.s32 s17, s8;
	s6 =	sand.u32 $0x380, s6  }
0xef: {  	s6 =	sor.u32 s6, s7  }
0xf0: {  	s6 =	sshrl.u32 s6, $0x3  }
0xf1: {  	s21 =	simm.s32 $0x1500;
	s5 =	sadd.s32 s5, s6  }
0xf2: {  	[tilespmem:s21], [sflag:$0x1] =	stream.linear.gather [hbm4b:s5+s3], $0x80, $0x38;
	[tilespmem:$0x2980] =	vst v63  }
0xf3: {  	s23 =	simm.s32 $0x1900;
	s22 =	sadd.s32 $0x80, s5  }
0xf4: {  	[tilespmem:s23], [sflag:$0x1] =	stream.linear.gather [hbm4b:s22+s3], $0x80, $0x38;
	[tilespmem:$0x2980] =	vst v63  }
0xf5: {  	s25 =	simm.s32 $0x1D00;
	s24 =	sadd.s32 $0x100, s5  }
0xf6: {  	[tilespmem:s25], [sflag:$0x1] =	stream.linear.gather [hbm4b:s24+s3], $0x80, $0x38;
	[tilespmem:$0x2980] =	vst v63  }
0xf7: {  	s26 =	simm.s32 $0x2100;
	s28 =	simm.s32 $0x1;
	s5 =	sadd.s32 $0x180, s5  }
0xf8: {  	[tilespmem:s26], [sflag:$0x1] =	stream.linear.gather [hbm4b:s5+s3], $0x80, $0x38;
	[tilespmem:$0x2980] =	vst v63  }
0xf9: {  	_ =	swait.ge [sflag:s28], $0x200  }
0xfa: {  	[sflag:s28] =	ssyncset.done $0x0  }
0xfb: {  	[sflag:s28] =	ssyncadd.s32 $0xFFFFFE00  }
0xfc: {  	_ =	swait.ge [sflag:s28], $0x200  }
0xfd: {  	[sflag:s28] =	ssyncset.done $0x0  }
0xfe: {  	[sflag:s28] =	ssyncadd.s32 $0xFFFFFE00  }
0xff: {  	_ =	swait.ge [sflag:s28], $0x200  }
0x100: {  	[sflag:s28] =	ssyncset.done $0x0  }
0x101: {  	[sflag:s28] =	ssyncadd.s32 $0xFFFFFE00  }
0x102: {  	_ =	swait.ge [sflag:s28], $0x200  }
0x103: {  	[sflag:s28] =	ssyncset.done $0x0  }
0x104: {  	[sflag:s28] =	ssyncadd.s32 $0xFFFFFE00  }
0x105: {  	_ =	swait.ge [sflag:s28], $0x200  }
0x106: {  	[sflag:s28] =	ssyncset.done $0x0  }
0x107: {  	[sflag:s28] =	ssyncadd.s32 $0xFFFFFE00  }
0x108: {  	_ =	swait.ge [sflag:s28], $0x200  }
0x109: {  	[sflag:s28] =	ssyncset.done $0x0  }
0x10a: {  	[sflag:s28] =	ssyncadd.s32 $0xFFFFFE00  }
0x10b: {  	_ =	swait.ge [sflag:s28], $0x200  }
0x10c: {  	[sflag:s28] =	ssyncset.done $0x0  }
0x10d: {  	[sflag:s28] =	ssyncadd.s32 $0xFFFFFE00  }
0x10e: {  	_ =	swait.ge [sflag:s28], $0x200  }
0x10f: {  	[sflag:s28] =	ssyncset.done $0x0  }
0x110: {  	[sflag:s28] =	ssyncadd.s32 $0xFFFFFE00  }
0x111: {  	_ =	swait.ge [sflag:s28], $0x200  }
0x112: {  	[sflag:s28] =	ssyncset.done $0x0  }
0x113: {  	[sflag:s28] =	ssyncadd.s32 $0xFFFFFE00  }
0x114: {  	_ =	swait.ge [sflag:s28], $0x200  }
0x115: {  	[sflag:s28] =	ssyncset.done $0x0  }
0x116: {  	[sflag:s28] =	ssyncadd.s32 $0xFFFFFE00  }
0x117: {  	_ =	swait.ge [sflag:s28], $0x200  }
0x118: {  	[sflag:s28] =	ssyncset.done $0x0  }
0x119: {  	[sflag:s28] =	ssyncadd.s32 $0xFFFFFE00  }
0x11a: {  	_ =	swait.ge [sflag:s28], $0x200  }
0x11b: {  	[sflag:s28] =	ssyncset.done $0x0  }
0x11c: {  	[sflag:s28] =	ssyncadd.s32 $0xFFFFFE00  }
0x11d: {  	_ =	swait.ge [sflag:s28], $0x200  }
0x11e: {  	[sflag:s28] =	ssyncset.done $0x0  }
0x11f: {  	[sflag:s28] =	ssyncadd.s32 $0xFFFFFE00  }
0x120: {  	_ =	swait.ge [sflag:s28], $0x200  }
0x121: {  	[sflag:s28] =	ssyncset.done $0x0  }
0x122: {  	[sflag:s28] =	ssyncadd.s32 $0xFFFFFE00  }
0x123: {  	_ =	swait.ge [sflag:s28], $0x200  }
0x124: {  	v2 =	vcvt.s32.f32 v2;
	v3 =	vcvt.s32.f32 v3;
	[sflag:s28] =	ssyncset.done $0x0  }
0x125: {  	[sflag:s28] =	ssyncadd.s32 $0xFFFFFE00  }
0x126: {  	v0 =	vsub.f32 v0, v2;
	v1 =	vsub.f32 v1, v3;
	s29 =	simm.s32 $0x0;
	_ =	swait.ge [sflag:s28], $0x200  }
0x127: {  	s30 =	sand.u32 $0x70, s3;
	s6 =	sand.u32 $0x3FFFFC00, s29;
	[sflag:s28] =	ssyncset.done $0x0  }
0x128: {  	v2 =	vsub.f32 $1.000000000e+00, v0;
	v3 =	vsub.f32 $1.000000000e+00, v1;
	s6 =	sor.u32 s30, s6;
	[sflag:s28] =	ssyncadd.s32 $0xFFFFFE00  }
0x129: {  	v4 =	vld [tilespmem:s6+$0x180]  }
0x12a: {  	v0 =	vsel vm0, v2, v0;
	v1 =	vsel vm1, v3, v1;
	v3 =	vld [tilespmem:s6+$0x200]  }
0x12b: {  	v15 =	vmul.f32 v1, v0  }
0x12c: {  	v5 =	vld [tilespmem:s6+$0x280]  }
0x12d: {  	v0 =	vbroadcast v15, $0x0;
	v1 =	vbroadcast v15, $0x1  }
0x12e: {  	v2 =	vbroadcast v15, $0x2;
	v6 =	vld [tilespmem:s6+$0x300]  }
0x12f: {  	v4 =	vmul.f32 v4, v0;
	v7 =	vmul.f32 v3, v1;
	_ =	sdelay $0x1  }
0x130: {  	v3 =	vbroadcast v15, $0x3;
	v5 =	vmul.f32 v5, v2;
	v4 =	vadd.f32 v7, v4;
	_ =	sdelay $0x1  }
0x131: {  	v4 =	vadd.f32 v5, v4;
	v5 =	vmul.f32 v6, v3  }
0x132: {  	s31 =	simm.s32 $0x0  }
0x133: {  	s5 =	sand.u32 $0x3FFFFE00, s31;
	v4 =	vadd.f32 v5, v4  }
0x134: {  	s5 =	sor.u32 s30, s5  }
0x135: {  	[tilespmem:s5+$0x2180] =	vst v4  }
0x136: {  	v7 =	vld [tilespmem:s6+$0x380]  }
0x137: {  	v8 =	vld [tilespmem:s6+$0x400];
	_ =	sdelay $0x1  }
0x138: {  	v9 =	vld [tilespmem:s6+$0x480]  }
0x139: {  	v5 =	vbroadcast v15, $0x5;
	v4 =	vbroadcast v15, $0x4  }
0x13a: {  	v6 =	vbroadcast v15, $0x6;
	v10 =	vld [tilespmem:s6+$0x500]  }
0x13b: {  	v11 =	vmul.f32 v7, v4;
	v8 =	vmul.f32 v8, v5;
	_ =	sdelay $0x1  }
0x13c: {  	v7 =	vbroadcast v15, $0x7;
	v9 =	vmul.f32 v9, v6;
	v8 =	vadd.f32 v8, v11;
	_ =	sdelay $0x1  }
0x13d: {  	v8 =	vadd.f32 v9, v8;
	v9 =	vmul.f32 v10, v7;
	_ =	sdelay $0x1  }
0x13e: {  	v8 =	vadd.f32 v9, v8;
	_ =	sdelay $0x1  }
0x13f: {  	[tilespmem:s5+$0x2200] =	vst v8  }
0x140: {  	v11 =	vld [tilespmem:s6+$0x1180]  }
0x141: {  	v12 =	vld [tilespmem:s6+$0x1200];
	_ =	sdelay $0x1  }
0x142: {  	v13 =	vld [tilespmem:s6+$0x1280]  }
0x143: {  	v9 =	vbroadcast v15, $0x9;
	v8 =	vbroadcast v15, $0x8  }
0x144: {  	v10 =	vbroadcast v15, $0xA;
	v14 =	vld [tilespmem:s6+$0x1300]  }
0x145: {  	v16 =	vmul.f32 v11, v8;
	v12 =	vmul.f32 v12, v9;
	_ =	sdelay $0x1  }
0x146: {  	v11 =	vbroadcast v15, $0xB;
	v13 =	vmul.f32 v13, v10;
	v12 =	vadd.f32 v12, v16;
	_ =	sdelay $0x1  }
0x147: {  	v12 =	vadd.f32 v13, v12;
	v13 =	vmul.f32 v14, v11;
	_ =	sdelay $0x1  }
0x148: {  	v12 =	vadd.f32 v13, v12;
	_ =	sdelay $0x1  }
0x149: {  	[tilespmem:s5+$0x2280] =	vst v12  }
0x14a: {  	v16 =	vld [tilespmem:s6+$0x1380]  }
0x14b: {  	v17 =	vld [tilespmem:s6+$0x1400]  }
0x14c: {  	v18 =	vld [tilespmem:s6+$0x1480]  }
0x14d: {  	v19 =	vld [tilespmem:s6+$0x1500]  }
0x14e: {  	v13 =	vbroadcast v15, $0xD;
	v12 =	vbroadcast v15, $0xC  }
0x14f: {  	v14 =	vbroadcast v15, $0xE;
	v15 =	vbroadcast v15, $0xF  }
0x150: {  	v16 =	vmul.f32 v16, v12;
	v20 =	vmul.f32 v17, v13;
	_ =	sdelay $0x1  }
0x151: {  	s4 =	sadd.s32 $0x2C000, s4;
	s6 =	simm.s32 $0x1;
	v17 =	vmul.f32 v18, v14;
	v18 =	vadd.f32 v20, v16;
	v16 =	vmul.f32 v19, v15  }
.LBB2_1:
0x152: {  	p0 =	sne.s32 s6, $0x1F  }
0x153: {  	s3 =	sadd.s32 $0x10, s3;
	s8 =	smov.u32 s6;
	s6 =	sadd.s32 $0x1, s6  }
0x154: {  	v17 =	vadd.f32 v17, v18  }
0x155: {  	s7 =	sshll.u32 s8, $0x7  }
0x156: {  	s9 =	sand.u32 $0x70, s3;
	s7 =	sand.u32 $0x3FFFFC00, s7;
	v16 =	vadd.f32 v16, v17  }
0x157: {  	s7 =	sor.u32 s9, s7  }
0x158: {  	[tilespmem:s5+$0x2300] =	vst v16  }
0x159: {  	v16 =	vld [tilespmem:s7+$0x180]  }
0x15a: {  	v17 =	vld [tilespmem:s7+$0x200];
	_ =	sdelay $0x1  }
0x15b: {  	v18 =	vld [tilespmem:s7+$0x280];
	_ =	sdelay $0x1  }
0x15c: {  	v19 =	vld [tilespmem:s7+$0x300]  }
0x15d: {  	v16 =	vmul.f32 v16, v0;
	v17 =	vmul.f32 v17, v1;
	_ =	sdelay $0x1  }
0x15e: {  	v16 =	vadd.f32 v17, v16;
	v17 =	vmul.f32 v18, v2;
	_ =	sdelay $0x1  }
0x15f: {  	v16 =	vadd.f32 v17, v16;
	v17 =	vmul.f32 v19, v3  }
0x160: {  	s5 =	sshll.u32 s8, $0x6  }
0x161: {  	s5 =	sand.u32 $0x3FFFFE00, s5;
	v16 =	vadd.f32 v17, v16  }
0x162: {  	s5 =	sor.u32 s9, s5  }
0x163: {  	[tilespmem:s5+$0x2180] =	vst v16  }
0x164: {  	v16 =	vld [tilespmem:s7+$0x380]  }
0x165: {  	v17 =	vld [tilespmem:s7+$0x400];
	_ =	sdelay $0x1  }
0x166: {  	v18 =	vld [tilespmem:s7+$0x480];
	_ =	sdelay $0x1  }
0x167: {  	v19 =	vld [tilespmem:s7+$0x500]  }
0x168: {  	v16 =	vmul.f32 v16, v4;
	v17 =	vmul.f32 v17, v5;
	_ =	sdelay $0x1  }
0x169: {  	v16 =	vadd.f32 v17, v16;
	v17 =	vmul.f32 v18, v6;
	_ =	sdelay $0x1  }
0x16a: {  	v16 =	vadd.f32 v17, v16;
	v17 =	vmul.f32 v19, v7;
	_ =	sdelay $0x1  }
0x16b: {  	v16 =	vadd.f32 v17, v16;
	_ =	sdelay $0x1  }
0x16c: {  	[tilespmem:s5+$0x2200] =	vst v16  }
0x16d: {  	v16 =	vld [tilespmem:s7+$0x1180]  }
0x16e: {  	v17 =	vld [tilespmem:s7+$0x1200]  }
0x16f: {  	v18 =	vld [tilespmem:s7+$0x1280]  }
0x170: {  	v19 =	vld [tilespmem:s7+$0x1300];
	_ =	sdelay $0x2  }
0x171: {  	v16 =	vmul.f32 v16, v8;
	v17 =	vmul.f32 v17, v9;
	_ =	sdelay $0x1  }
0x172: {  	v16 =	vadd.f32 v17, v16;
	v17 =	vmul.f32 v18, v10;
	_ =	sdelay $0x1  }
0x173: {  	v16 =	vadd.f32 v17, v16;
	v17 =	vmul.f32 v19, v11;
	_ =	sdelay $0x1  }
0x174: {  	v16 =	vadd.f32 v17, v16;
	_ =	sdelay $0x1  }
0x175: {  	[tilespmem:s5+$0x2280] =	vst v16  }
0x176: {  	v16 =	vld [tilespmem:s7+$0x1380]  }
0x177: {  	v17 =	vld [tilespmem:s7+$0x1400]  }
0x178: {  	v18 =	vld [tilespmem:s7+$0x1480]  }
0x179: {  	v19 =	vld [tilespmem:s7+$0x1500]  }
.Ltmp0:
0x17a: {  	(pc) =	sbr.rel @p0 .LBB2_1-.Ltmp0, $4  }
0x17b: {  	v16 =	vmul.f32 v16, v12  }
0x17c: {  	v20 =	vmul.f32 v17, v13  }
0x17d: {  	v17 =	vmul.f32 v18, v14  }
0x17e: {  	v18 =	vadd.f32 v20, v16;
	v16 =	vmul.f32 v19, v15  }
0x17f: {  	p0 =	sgt.u32 s1, $0xC  }
0x180: {  	s3 =	smul.u32 @!p0 $0x25, s2  }
0x181: {  	s7 =	sor.u32 $0x1, s2  }
0x182: {  	s19 =	sor.u32 $0x2, s2;
	s8 =	smul.u32 $0x25, s7;
	s3 =	sshrl.u32 @!p0 s3, $0x8  }
0x183: {  	s25 =	sor.u32 $0x3, s2;
	s10 =	simm.s32 @!p0 $0x2380;
	s6 =	smul.u32 @!p0 $0x7, s3  }
0x184: {  	s11 =	simm.s32 @!p0 $0x2580;
	s20 =	smul.u32 $0x25, s19;
	p1 =	sgt.u32 s7, $0x30  }
0x185: {  	v0 =	vadd.f32 v17, v18;
	s26 =	smul.u32 $0x25, s25;
	p2 =	sgt.u32 s19, $0x30;
	s6 =	ssub.s32 @!p0 s2, s6  }
0x186: {  	p3 =	sgt.u32 s25, $0x30;
	s8 =	sshrl.u32 s8, $0x8;
	s6 =	sshll.u32 @!p0 s6, $0x4  }
0x187: {  	v0 =	vadd.f32 v16, v0;
	s28 =	sshrl.u32 s26, $0x8;
	s3 =	sshll.u32 @!p0 s3, $0x9;
	s6 =	sand.u32 @!p0 $0xF0, s6  }
0x188: {  	s18 =	smul.u32 $0x7, s8;
	s8 =	sshll.u32 s8, $0x9;
	s6 =	sadd.s32 @!p0 s6, s4  }
0x189: {  	[tilespmem:s5+$0x2300] =	vst v0;
	s5 =	simm.s32 @!p0 $0x0;
	s3 =	sadd.s32 @!p0 s3, s6;
	s6 =	simm.s32 @!p0 $0x2180  }
0x18a: {  	[hbm4b:s3+s5] =	stream.linear.scatter @!p0 [tilespmem:s6], [sflag:$0x1], $0x80, $0x38;
	[tilespmem:$0x2980] =	vst v63  }
0x18b: {  	s29 =	smul.u32 $0x7, s28;
	s9 =	sadd.s32 @!p0 $0x80, s3;
	s6 =	ssub.s32 s7, s18  }
0x18c: {  	[hbm4b:s9+s5] =	stream.linear.scatter @!p0 [tilespmem:s10], [sflag:$0x1], $0x80, $0x38;
	[tilespmem:$0x2980] =	vst v63  }
0x18d: {  	s30 =	sshll.u32 s28, $0x9;
	s6 =	sshll.u32 s6, $0x4;
	s10 =	sadd.s32 @!p0 $0x100, s3  }
0x18e: {  	[hbm4b:s10+s5] =	stream.linear.scatter @!p0 [tilespmem:s11], [sflag:$0x1], $0x80, $0x38;
	[tilespmem:$0x2980] =	vst v63  }
0x18f: {  	s6 =	sand.u32 $0xF0, s6;
	s3 =	sadd.s32 @!p0 $0x180, s3;
	s10 =	sshrl.u32 s20, $0x8  }
0x190: {  	s6 =	sadd.s32 s6, s4;
	s11 =	simm.s32 @!p0 $0x2780;
	s21 =	smul.u32 $0x7, s10  }
0x191: {  	[hbm4b:s3+s5] =	stream.linear.scatter @!p0 [tilespmem:s11], [sflag:$0x1], $0x80, $0x38;
	[tilespmem:$0x2980] =	vst v63  }
0x192: {  	s7 =	simm.s32 @!p1 $0x0;
	s6 =	sadd.s32 s8, s6;
	s22 =	ssub.s32 s19, s21  }
0x193: {  	s8 =	simm.s32 @!p1 $0x2200;
	s23 =	sshll.u32 s10, $0x9;
	s24 =	sshll.u32 s22, $0x4  }
0x194: {  	[hbm4b:s6+s7] =	stream.linear.scatter @!p1 [tilespmem:s8], [sflag:$0x1], $0x80, $0x38;
	[tilespmem:$0x2980] =	vst v63  }
0x195: {  	s10 =	simm.s32 @!p1 $0x2400;
	s8 =	sadd.s32 @!p1 $0x80, s6;
	s5 =	sand.u32 $0xF0, s24  }
0x196: {  	[hbm4b:s8+s7] =	stream.linear.scatter @!p1 [tilespmem:s10], [sflag:$0x1], $0x80, $0x38;
	[tilespmem:$0x2980] =	vst v63  }
0x197: {  	s5 =	sadd.s32 s5, s4;
	s8 =	sadd.s32 @!p1 $0x100, s6;
	s10 =	simm.s32 @!p1 $0x2600  }
0x198: {  	[hbm4b:s8+s7] =	stream.linear.scatter @!p1 [tilespmem:s10], [sflag:$0x1], $0x80, $0x38;
	[tilespmem:$0x2980] =	vst v63  }
0x199: {  	s6 =	sadd.s32 @!p1 $0x180, s6;
	s3 =	sadd.s32 s23, s5;
	s10 =	simm.s32 @!p1 $0x2800  }
0x19a: {  	[hbm4b:s6+s7] =	stream.linear.scatter @!p1 [tilespmem:s10], [sflag:$0x1], $0x80, $0x38;
	[tilespmem:$0x2980] =	vst v63  }
0x19b: {  	s8 =	simm.s32 @!p2 $0x2280;
	s7 =	simm.s32 @!p2 $0x0;
	s6 =	ssub.s32 s25, s29  }
0x19c: {  	[hbm4b:s3+s7] =	stream.linear.scatter @!p2 [tilespmem:s8], [sflag:$0x1], $0x80, $0x38;
	[tilespmem:$0x2980] =	vst v63  }
0x19d: {  	s9 =	simm.s32 @!p2 $0x2480;
	s6 =	sshll.u32 s6, $0x4;
	s8 =	sadd.s32 @!p2 $0x80, s3  }
0x19e: {  	[hbm4b:s8+s7] =	stream.linear.scatter @!p2 [tilespmem:s9], [sflag:$0x1], $0x80, $0x38;
	[tilespmem:$0x2980] =	vst v63  }
0x19f: {  	s6 =	sand.u32 $0xF0, s6;
	s8 =	sadd.s32 @!p2 $0x100, s3;
	s9 =	simm.s32 @!p2 $0x2680  }
0x1a0: {  	[hbm4b:s8+s7] =	stream.linear.scatter @!p2 [tilespmem:s9], [sflag:$0x1], $0x80, $0x38;
	[tilespmem:$0x2980] =	vst v63  }
0x1a1: {  	s31 =	sadd.s32 s6, s4;
	s3 =	sadd.s32 @!p2 $0x180, s3;
	s8 =	simm.s32 @!p2 $0x2880  }
0x1a2: {  	[hbm4b:s3+s7] =	stream.linear.scatter @!p2 [tilespmem:s8], [sflag:$0x1], $0x80, $0x38;
	[tilespmem:$0x2980] =	vst v63  }
0x1a3: {  	s4 =	simm.s32 @!p3 $0x2300;
	s2 =	sadd.s32 s30, s31;
	s3 =	simm.s32 @!p3 $0x0  }
0x1a4: {  	[hbm4b:s2+s3] =	stream.linear.scatter @!p3 [tilespmem:s4], [sflag:$0x1], $0x80, $0x38;
	[tilespmem:$0x2980] =	vst v63  }
0x1a5: {  	s5 =	simm.s32 @!p3 $0x2500;
	s4 =	sadd.s32 @!p3 $0x80, s2  }
0x1a6: {  	[hbm4b:s4+s3] =	stream.linear.scatter @!p3 [tilespmem:s5], [sflag:$0x1], $0x80, $0x38;
	[tilespmem:$0x2980] =	vst v63  }
0x1a7: {  	s4 =	sadd.s32 @!p3 $0x100, s2;
	s5 =	simm.s32 @!p3 $0x2700  }
0x1a8: {  	[hbm4b:s4+s3] =	stream.linear.scatter @!p3 [tilespmem:s5], [sflag:$0x1], $0x80, $0x38;
	[tilespmem:$0x2980] =	vst v63  }
0x1a9: {  	s2 =	sadd.s32 @!p3 $0x180, s2;
	s4 =	simm.s32 @!p3 $0x2900  }
0x1aa: {  	[hbm4b:s2+s3] =	stream.linear.scatter @!p3 [tilespmem:s4], [sflag:$0x1], $0x80, $0x38;
	[tilespmem:$0x2980] =	vst v63  }
0x1ab: {  	s2 =	simm.s32 @!p0 $0x1  }
0x1ac: {  	_ =	swait.ge @!p0 [sflag:s2], $0x200  }
0x1ad: {  	[sflag:s2] =	ssyncset.done @!p0 $0x0  }
0x1ae: {  	[sflag:s2] =	ssyncadd.s32 @!p0 $0xFFFFFE00;
	s2 =	simm.s32 @!p1 $0x1  }
0x1af: {  	_ =	swait.ge @!p1 [sflag:s2], $0x200  }
0x1b0: {  	[sflag:s2] =	ssyncset.done @!p1 $0x0  }
0x1b1: {  	[sflag:s2] =	ssyncadd.s32 @!p1 $0xFFFFFE00;
	s2 =	simm.s32 @!p2 $0x1  }
0x1b2: {  	_ =	swait.ge @!p2 [sflag:s2], $0x200  }
0x1b3: {  	[sflag:s2] =	ssyncset.done @!p2 $0x0  }
0x1b4: {  	[sflag:s2] =	ssyncadd.s32 @!p2 $0xFFFFFE00;
	s2 =	simm.s32 @!p3 $0x1  }
0x1b5: {  	_ =	swait.ge @!p3 [sflag:s2], $0x200  }
0x1b6: {  	[sflag:s2] =	ssyncset.done @!p3 $0x0  }
0x1b7: {  	[sflag:s2] =	ssyncadd.s32 @!p3 $0xFFFFFE00  }
0x1b8: {  	_ =	sfence.sel $0x180000  }
0x1b9: {  	[bflag:$0x0] =	sbarrier.arrive $0xFFFF  }
0x1ba: {  	p0 =	sne.s32 s1, $0x0;
	_ =	strace $0x90000047  }
0x1bb: {  	s0 =	sadd.s32 @!p0 $0x100000, s0;
	[bflag:$0x2] =	sbarrier.arrive $0xFFFF  }
0x1bc: {  	[sflag:s0] =	ssyncadd.tile.s32 @!p0 $0x1;
	_ =	shalt  }
.Lfunc_end2:
_tile_overlayer_lowered:
.L_overlay_start_2:
0x1bd: {  	(tag) =	ssettag $0x2  }
0x1be: {  	s0 =	rddreg [dreg:$0x0];
	s2 =	stileid.u32  }
0x1bf: {  	s1 =	rddreg [dreg:$0x1];
	p0 =	sne.s32 s2, $0x0  }
0x1c0: {  	s3 =	rddreg [dreg:$0x2];
	[bflag:$0x3] =	sbarrier.arrive $0xFFFF;
	s2 =	simm.s32 @!p0 $0x1C02  }
0x1c1: {  	[timem:s3], [sflag:s2] =	dma.local @!p0 [hbm:s0], s1  }
0x1c2: {  	s0 =	simm.s32 @!p0 $0x2  }
0x1c3: {  	_ =	swait.ge @!p0 [sflag:s0], s1  }
0x1c4: {  	s1 =	ssub.s32 @!p0 $0x0, s1;
	[sflag:s0] =	ssyncset.done @!p0 $0x0  }
0x1c5: {  	[sflag:s0] =	ssyncadd.s32 @!p0 s1  }
0x1c6: {  	[bflag:$0x3] =	sbarrier.arrive $0xFFFF  }
0x1c7: {  	_ =	shalt  }

</sc_bundles>
